<compile_context>
chip_gen: v7x
topology: tpu7x:2x2x1
jax: 0.10.2.dev20260603
libtpu: 0.0.44.dev20260713+nightly
codegen_flags: <defaults>
</compile_context>

<pallas_src>
import functools

import jax
import jax.numpy as jnp
from jax import lax
from jax.experimental import pallas as pl
from jax.experimental.pallas import tpu as pltpu
from jax.experimental.pallas import tpu_sc as plsc

N = 10000
E = 320000
D = 128
H = 128
C = 40

NC = 2
NS = 16
NW = NC * NS
RPT = 632
N_PAD = RPT * NS
CHUNK = 80
NCHUNK = 125
EPT = CHUNK * NCHUNK

BN = 1000
GRID = N // BN


def _make_sc_agg(with_deg: bool):
  mesh = plsc.VectorSubcoreMesh(core_axis_name="c", subcore_axis_name="s")
  out_type = [jax.ShapeDtypeStruct((NC, N_PAD, D), jnp.float32)]
  scratch = [
      pltpu.VMEM_SHARED((N_PAD, D), jnp.float32),
      pltpu.VMEM((CHUNK,), jnp.int32),
      pltpu.VMEM((CHUNK,), jnp.int32),
      pltpu.VMEM((CHUNK, D), jnp.float32),
      pltpu.SemaphoreType.DMA,
  ]
  if with_deg:
    out_type.append(jax.ShapeDtypeStruct((NC, N_PAD, D), jnp.float32))
    scratch.append(pltpu.VMEM((CHUNK, D), jnp.float32))

  def body(*refs):
    if with_deg:
      (h_hbm, src_hbm, dst_hbm, z_d, ones_hbm, out_agg, out_deg,
       agg_sh, src_v, dst_v, rows_v, sem, ones_v) = refs
    else:
      (h_hbm, src_hbm, dst_hbm, z_d, out_agg,
       agg_sh, src_v, dst_v, rows_v, sem) = refs
    cid = lax.axis_index("c")
    sid = lax.axis_index("s")
    base = (cid * NS + sid) * EPT
    my_rows = pl.ds(sid * RPT, RPT)

    pltpu.sync_copy(z_d, agg_sh.at[my_rows])
    if with_deg:
      pltpu.sync_copy(ones_hbm, ones_v)
    plsc.subcore_barrier()

    if with_deg:
      def dstep(i, carry):
        off = base + i * CHUNK
        pltpu.sync_copy(dst_hbm.at[pl.ds(off, CHUNK)], dst_v)
        pltpu.sync_copy(ones_v, agg_sh.at[dst_v], add=True)
        return carry

      lax.fori_loop(0, NCHUNK, dstep, 0)
      plsc.subcore_barrier()
      pltpu.sync_copy(agg_sh.at[my_rows], out_deg.at[cid, my_rows])
      pltpu.sync_copy(z_d, agg_sh.at[my_rows])
      plsc.subcore_barrier()

    def step(i, carry):
      off = base + i * CHUNK
      pltpu.sync_copy(src_hbm.at[pl.ds(off, CHUNK)], src_v)
      pltpu.sync_copy(dst_hbm.at[pl.ds(off, CHUNK)], dst_v)
      pltpu.async_copy(h_hbm.at[src_v], rows_v, sem).wait()
      pltpu.sync_copy(rows_v, agg_sh.at[dst_v], add=True)
      return carry

    lax.fori_loop(0, NCHUNK, step, 0)
    plsc.subcore_barrier()
    pltpu.sync_copy(agg_sh.at[my_rows], out_agg.at[cid, my_rows])

  return pl.kernel(body, out_type=out_type, mesh=mesh, scratch_types=scratch)


_sc_agg_deg = _make_sc_agg(True)
_sc_agg = _make_sc_agg(False)


def _tc_layer_body(h_ref, aggA_ref, aggB_ref, degA_ref, degB_ref,
                   ws_ref, wn_ref, b_ref, out_ref):
  deg = degA_ref[:, :1] + degB_ref[:, :1]
  inv = 1.0 / jnp.maximum(deg, 1.0)
  agg = (aggA_ref[...] + aggB_ref[...]) * inv
  acc = jnp.dot(h_ref[...], ws_ref[...], preferred_element_type=jnp.float32)
  acc += jnp.dot(agg, wn_ref[...], preferred_element_type=jnp.float32)
  out_ref[...] = jnp.maximum(acc + b_ref[...], 0.0)


def _tc_final_body(h_ref, aggA_ref, aggB_ref, degA_ref, degB_ref,
                   ws_ref, wn_ref, b_ref, wp_ref, bp_ref,
                   score_ref, pls_ref):
  i = pl.program_id(0)
  deg = degA_ref[:, :1] + degB_ref[:, :1]
  inv = 1.0 / jnp.maximum(deg, 1.0)
  agg = (aggA_ref[...] + aggB_ref[...]) * inv
  acc = jnp.dot(h_ref[...], ws_ref[...], preferred_element_type=jnp.float32)
  acc += jnp.dot(agg, wn_ref[...], preferred_element_type=jnp.float32)
  h2 = jnp.maximum(acc + b_ref[...], 0.0)

  @pl.when(i == 0)
  def _():
    pls_ref[...] = jnp.zeros_like(pls_ref)

  pls_ref[...] += jnp.sum(h2, axis=0, keepdims=True)

  @pl.when(i == pl.num_programs(0) - 1)
  def _():
    pls = pls_ref[...] * (1.0 / N)
    pls_ref[...] = pls
    score_ref[...] = (
        jnp.dot(pls, wp_ref[...], preferred_element_type=jnp.float32)
        + bp_ref[...])


def _row_blocks(n_cols):
  return pl.BlockSpec((BN, n_cols), lambda i: (i, 0))


def _full(shape):
  return pl.BlockSpec(shape, lambda i: tuple(0 for _ in shape))


_tc_layer = pl.pallas_call(
    _tc_layer_body,
    out_shape=jax.ShapeDtypeStruct((N, H), jnp.float32),
    grid=(GRID,),
    in_specs=[
        _row_blocks(D), _row_blocks(D), _row_blocks(D),
        _row_blocks(D), _row_blocks(D),
        _full((D, H)), _full((D, H)), _full((1, H)),
    ],
    out_specs=_row_blocks(H),
)

_tc_final = pl.pallas_call(
    _tc_final_body,
    out_shape=(
        jax.ShapeDtypeStruct((1, C), jnp.float32),
        jax.ShapeDtypeStruct((1, H), jnp.float32),
    ),
    grid=(GRID,),
    in_specs=[
        _row_blocks(H), _row_blocks(H), _row_blocks(H),
        _row_blocks(D), _row_blocks(D),
        _full((H, H)), _full((H, H)), _full((1, H)),
        _full((H, C)), _full((1, C)),
    ],
    out_specs=(_full((1, C)), _full((1, H))),
)


def kernel(inputs, edge_index, W_self0, W_neigh0, b0, W_self1, W_neigh1, b1,
           W_pred, b_pred):
  src = edge_index[0]
  dst = edge_index[1]
  z_d = jnp.zeros((RPT, D), jnp.float32)
  ones = jnp.ones((CHUNK, D), jnp.float32)

  agg0, deg = _sc_agg_deg(inputs, src, dst, z_d, ones)
  h1 = _tc_layer(inputs, agg0[0], agg0[1], deg[0], deg[1],
                 W_self0, W_neigh0, b0.reshape(1, H))
  agg1, = _sc_agg(h1, src, dst, z_d)
  score, pls = _tc_final(h1, agg1[0], agg1[1], deg[0], deg[1],
                         W_self1, W_neigh1, b1.reshape(1, H),
                         W_pred, b_pred.reshape(1, C))
  return (score, pls)

# --- scband reference (transcript-rebuilt; emitter-appended) ---
"""Pipeline reference for scband-graph-sage-25159918420563 (READ-ONLY COPY).

The authoritative reference and input builder live on the scoring server;
editing this copy changes nothing except your own understanding.
"""

import jax, jax.numpy as jnp
import numpy as np

N = 10000
E = 320000
D = 128
H = 128
C = 40


def setup_inputs(seed: int = 0) -> dict:
    key = jax.random.key(seed)
    ks = jax.random.split(key, 12)
    inputs = jax.random.normal(ks[0], (N, D), dtype=jnp.float32)
    edge_index = jax.random.randint(ks[1], (2, E), 0, N, dtype=jnp.int32)
    s_in = 1.0 / np.sqrt(D)
    s_h = 1.0 / np.sqrt(H)
    W_self0 = jax.random.normal(ks[2], (D, H), dtype=jnp.float32) * s_in
    W_neigh0 = jax.random.normal(ks[3], (D, H), dtype=jnp.float32) * s_in
    b0 = jnp.zeros((H,), dtype=jnp.float32)
    W_self1 = jax.random.normal(ks[4], (H, H), dtype=jnp.float32) * s_h
    W_neigh1 = jax.random.normal(ks[5], (H, H), dtype=jnp.float32) * s_h
    b1 = jnp.zeros((H,), dtype=jnp.float32)
    W_pred = jax.random.normal(ks[6], (H, C), dtype=jnp.float32) * s_h
    b_pred = jnp.zeros((C,), dtype=jnp.float32)
    return {
        "inputs": inputs,
        "edge_index": edge_index,
        "W_self0": W_self0,
        "W_neigh0": W_neigh0,
        "b0": b0,
        "W_self1": W_self1,
        "W_neigh1": W_neigh1,
        "b1": b1,
        "W_pred": W_pred,
        "b_pred": b_pred,
    }


def reference(inputs, edge_index, W_self0, W_neigh0, b0, W_self1, W_neigh1, b1, W_pred, b_pred):
    # GraphSAGE with mean aggregator (DGL SAGEConv semantics, dropout=0):
    #   h_neigh = mean_{u in N(v)} h_u ; h' = act(h @ W_self + h_neigh @ W_neigh + b)
    src = edge_index[0]
    dst = edge_index[1]
    deg = jax.ops.segment_sum(jnp.ones((E,), dtype=jnp.float32), dst, num_segments=N)
    deg = jnp.clip(deg, 1.0, None)[:, None]
    h = inputs
    for (Ws, Wn, b) in ((W_self0, W_neigh0, b0), (W_self1, W_neigh1, b1)):
        msg = jnp.take(h, src, axis=0)              # gather along edges
        agg = jax.ops.segment_sum(msg, dst, num_segments=N) / deg  # scatter-add mean
        h = jax.nn.relu(h @ Ws + agg @ Wn + b)
    # AvgPooling over the single graph (mean over all nodes)
    pls = jnp.mean(h, axis=0, keepdims=True)        # [1, H]
    score_over_layer = pls @ W_pred + b_pred        # [1, C]
    return (score_over_layer, pls)

if __name__ == "__main__":
    import jax
    _d = setup_inputs()
    print(jax.jit(kernel)(*tuple(_d.values())))

</pallas_src>

<mosaic_0001>
#map = affine_map<(d0, d1) -> (0, 0)>
#map1 = affine_map<(d0, d1) -> (0)>
#map2 = affine_map<(d0, d1) -> (0, 0, 0)>
module attributes {stable_mosaic.version = 14 : i64} {
  func.func @body(%arg0: i32, %arg1: i32, %arg2: memref<10000x128xf32, #tpu.memory_space<hbm>>, %arg3: memref<320000xi32, #tpu.memory_space<hbm>>, %arg4: memref<320000xi32, #tpu.memory_space<hbm>>, %arg5: memref<632x128xf32, #tpu.memory_space<hbm>>, %arg6: memref<2x10112x128xf32, #tpu.memory_space<hbm>>, %arg7: memref<10112x128xf32, #tpu.memory_space<vmem_shared>>, %arg8: memref<80xi32, #tpu.memory_space<vmem>>, %arg9: memref<80xi32, #tpu.memory_space<vmem>>, %arg10: memref<80x128xf32, #tpu.memory_space<vmem>>, %arg11: memref<!tpu.dma_semaphore, #tpu.memory_space<semaphore_mem>>) attributes {dimension_semantics = [#tpu.dimension_semantics<core_parallel>, #tpu.dimension_semantics<subcore_parallel>], iteration_bounds = array<i64: 2, 16>, scalar_prefetch = 0 : i64, scratch_operands = 5 : i64, tpu.core_type = #tpu.core_type<sc_vector_subcore>, window_params = [{transform_indices = #map}, {transform_indices = #map1}, {transform_indices = #map1}, {transform_indices = #map}, {transform_indices = #map2}]} {
    %mul3A = arith.constant 16 : i32
    %mul3A_0 = arith.muli %arg0, %mul3A : i32
    %add3A = arith.addi %mul3A_0, %arg1 : i32
    %mul3A_1 = arith.constant 10000 : i32
    %mul3A_2 = arith.muli %add3A, %mul3A_1 : i32
    %mul3A_3 = arith.constant 632 : i32
    %mul3A_4 = arith.muli %arg1, %mul3A_3 : i32
    "tpu.region"() ({
      %run_scoped3A = tpu.sem_alloc : memref<!tpu.dma_semaphore, #tpu.memory_space<semaphore_mem>>
      %dma_start3A = arith.constant 0 : i32
      %dma_start3A_11 = tpu.memref_slice %arg7[%mul3A_4, %dma_start3A] : memref<10112x128xf32, #tpu.memory_space<vmem_shared>> -> memref<632x128xf32, #tpu.memory_space<vmem_shared>>
      tpu.enqueue_dma source(%arg5 : memref<632x128xf32, #tpu.memory_space<hbm>>) target(%dma_start3A_11 : memref<632x128xf32, #tpu.memory_space<vmem_shared>>) target_semaphore(%run_scoped3A : memref<!tpu.dma_semaphore, #tpu.memory_space<semaphore_mem>>)
      %dma_wait3A = arith.constant 0 : i32
      %dma_wait3A_12 = tpu.memref_slice %arg7[%mul3A_4, %dma_wait3A] : memref<10112x128xf32, #tpu.memory_space<vmem_shared>> -> memref<632x128xf32, #tpu.memory_space<vmem_shared>>
      tpu.wait_dma2 semaphore(%run_scoped3A : memref<!tpu.dma_semaphore, #tpu.memory_space<semaphore_mem>>) src(%arg5 : memref<632x128xf32, #tpu.memory_space<hbm>>) dst(%dma_wait3A_12 : memref<632x128xf32, #tpu.memory_space<vmem_shared>>)
      tpu.yield
    }) : () -> ()
    %barrier3A = arith.constant 0 : index
    tpu.barrier barrier_id(%barrier3A)
    %scan3A = arith.constant 0 : i32
    %scan3A_5 = arith.constant 0 : i32
    %scan3A_6 = arith.constant 125 : i32
    %scan3A_7 = arith.addi %scan3A_5, %scan3A_6 : i32
    %scan3A_8 = arith.constant 1 : i32
    scf.for %scan3A_11 = %scan3A_5 to %scan3A_7 step %scan3A_8  : i32 {
      %mul3A_12 = arith.constant 80 : i32
      %mul3A_13 = arith.muli %scan3A_11, %mul3A_12 : i32
      %add3A_14 = arith.addi %mul3A_2, %mul3A_13 : i32
      "tpu.region"() ({
        %run_scoped3A = tpu.sem_alloc : memref<!tpu.dma_semaphore, #tpu.memory_space<semaphore_mem>>
        %dma_start3A_19 = tpu.memref_slice %arg3[%add3A_14] : memref<320000xi32, #tpu.memory_space<hbm>> -> memref<80xi32, #tpu.memory_space<hbm>>
        %dma_start3A_20 = tpu.memref_slice %arg3[%add3A_14] : memref<320000xi32, #tpu.memory_space<hbm>> -> memref<80xi32, #tpu.memory_space<hbm>>
        tpu.enqueue_dma source(%dma_start3A_20 : memref<80xi32, #tpu.memory_space<hbm>>) target(%arg8 : memref<80xi32, #tpu.memory_space<vmem>>) target_semaphore(%run_scoped3A : memref<!tpu.dma_semaphore, #tpu.memory_space<semaphore_mem>>)
        %dma_wait3A_21 = tpu.memref_slice %arg3[%add3A_14] : memref<320000xi32, #tpu.memory_space<hbm>> -> memref<80xi32, #tpu.memory_space<hbm>>
        %dma_wait3A_22 = tpu.memref_slice %arg3[%add3A_14] : memref<320000xi32, #tpu.memory_space<hbm>> -> memref<80xi32, #tpu.memory_space<hbm>>
        tpu.wait_dma2 semaphore(%run_scoped3A : memref<!tpu.dma_semaphore, #tpu.memory_space<semaphore_mem>>) src(%dma_wait3A_22 : memref<80xi32, #tpu.memory_space<hbm>>) dst(%arg8 : memref<80xi32, #tpu.memory_space<vmem>>)
        tpu.yield
      }) : () -> ()
      "tpu.region"() ({
        %run_scoped3A = tpu.sem_alloc : memref<!tpu.dma_semaphore, #tpu.memory_space<semaphore_mem>>
        %dma_start3A_19 = tpu.memref_slice %arg4[%add3A_14] : memref<320000xi32, #tpu.memory_space<hbm>> -> memref<80xi32, #tpu.memory_space<hbm>>
        %dma_start3A_20 = tpu.memref_slice %arg4[%add3A_14] : memref<320000xi32, #tpu.memory_space<hbm>> -> memref<80xi32, #tpu.memory_space<hbm>>
        tpu.enqueue_dma source(%dma_start3A_20 : memref<80xi32, #tpu.memory_space<hbm>>) target(%arg9 : memref<80xi32, #tpu.memory_space<vmem>>) target_semaphore(%run_scoped3A : memref<!tpu.dma_semaphore, #tpu.memory_space<semaphore_mem>>)
        %dma_wait3A_21 = tpu.memref_slice %arg4[%add3A_14] : memref<320000xi32, #tpu.memory_space<hbm>> -> memref<80xi32, #tpu.memory_space<hbm>>
        %dma_wait3A_22 = tpu.memref_slice %arg4[%add3A_14] : memref<320000xi32, #tpu.memory_space<hbm>> -> memref<80xi32, #tpu.memory_space<hbm>>
        tpu.wait_dma2 semaphore(%run_scoped3A : memref<!tpu.dma_semaphore, #tpu.memory_space<semaphore_mem>>) src(%dma_wait3A_22 : memref<80xi32, #tpu.memory_space<hbm>>) dst(%arg9 : memref<80xi32, #tpu.memory_space<vmem>>)
        tpu.yield
      }) : () -> ()
      %dma_start3A = arith.constant 0 : i32
      %dma_start3A_15 = arith.constant 0 : i32
      %dma_start3A_16 = tpu.memref_slice %arg2[%dma_start3A, %dma_start3A_15] : memref<10000x128xf32, #tpu.memory_space<hbm>> -> memref<10000x128xf32, #tpu.memory_space<hbm>>
      tpu.enqueue_indirect_dma source(%dma_start3A_16 : memref<10000x128xf32, #tpu.memory_space<hbm>>) target(%arg10 : memref<80x128xf32, #tpu.memory_space<vmem>>) offsets(%arg8 : memref<80xi32, #tpu.memory_space<vmem>>) semaphore(%arg11 : memref<!tpu.dma_semaphore, #tpu.memory_space<semaphore_mem>>)
      %dma_wait3A = arith.constant 0 : i32
      %dma_wait3A_17 = arith.constant 0 : i32
      %dma_wait3A_18 = tpu.memref_slice %arg2[%dma_wait3A, %dma_wait3A_17] : memref<10000x128xf32, #tpu.memory_space<hbm>> -> memref<10000x128xf32, #tpu.memory_space<hbm>>
      tpu.wait_indirect_dma semaphore(%arg11 : memref<!tpu.dma_semaphore, #tpu.memory_space<semaphore_mem>>) src(%dma_wait3A_18 : memref<10000x128xf32, #tpu.memory_space<hbm>>) dst(%arg10 : memref<80x128xf32, #tpu.memory_space<vmem>>)
      "tpu.region"() ({
        %run_scoped3A = tpu.sem_alloc : memref<!tpu.dma_semaphore, #tpu.memory_space<semaphore_mem>>
        %dma_start3A_19 = arith.constant 0 : i32
        %dma_start3A_20 = arith.constant 0 : i32
        %dma_start3A_21 = tpu.memref_slice %arg7[%dma_start3A_19, %dma_start3A_20] : memref<10112x128xf32, #tpu.memory_space<vmem_shared>> -> memref<10112x128xf32, #tpu.memory_space<vmem_shared>>
        tpu.enqueue_indirect_dma source(%arg10 : memref<80x128xf32, #tpu.memory_space<vmem>>) target(%dma_start3A_21 : memref<10112x128xf32, #tpu.memory_space<vmem_shared>>) offsets(%arg9 : memref<80xi32, #tpu.memory_space<vmem>>) semaphore(%run_scoped3A : memref<!tpu.dma_semaphore, #tpu.memory_space<semaphore_mem>>) {add = true}
        %dma_wait3A_22 = arith.constant 0 : i32
        %dma_wait3A_23 = arith.constant 0 : i32
        %dma_wait3A_24 = tpu.memref_slice %arg7[%dma_wait3A_22, %dma_wait3A_23] : memref<10112x128xf32, #tpu.memory_space<vmem_shared>> -> memref<10112x128xf32, #tpu.memory_space<vmem_shared>>
        tpu.wait_indirect_dma semaphore(%run_scoped3A : memref<!tpu.dma_semaphore, #tpu.memory_space<semaphore_mem>>) src(%arg10 : memref<80x128xf32, #tpu.memory_space<vmem>>) dst(%dma_wait3A_24 : memref<10112x128xf32, #tpu.memory_space<vmem_shared>>)
        tpu.yield
      }) : () -> ()
    }
    %scan3A_9 = arith.constant 125 : i32
    %barrier3A_10 = arith.constant 0 : index
    tpu.barrier barrier_id(%barrier3A_10)
    "tpu.region"() ({
      %run_scoped3A = tpu.sem_alloc : memref<!tpu.dma_semaphore, #tpu.memory_space<semaphore_mem>>
      %dma_start3A = arith.constant 0 : i32
      %dma_start3A_11 = tpu.memref_slice %arg6[%arg0, %mul3A_4, %dma_start3A] : memref<2x10112x128xf32, #tpu.memory_space<hbm>> -> memref<1x632x128xf32, #tpu.memory_space<hbm>>
      %dma_start3A_12 = tpu.memref_squeeze %dma_start3A_11 : memref<1x632x128xf32, #tpu.memory_space<hbm>> -> memref<632x128xf32, #tpu.memory_space<hbm>>
      %dma_start3A_13 = arith.constant 0 : i32
      %dma_start3A_14 = tpu.memref_slice %arg7[%mul3A_4, %dma_start3A_13] : memref<10112x128xf32, #tpu.memory_space<vmem_shared>> -> memref<632x128xf32, #tpu.memory_space<vmem_shared>>
      tpu.enqueue_dma source(%dma_start3A_14 : memref<632x128xf32, #tpu.memory_space<vmem_shared>>) target(%dma_start3A_12 : memref<632x128xf32, #tpu.memory_space<hbm>>) target_semaphore(%run_scoped3A : memref<!tpu.dma_semaphore, #tpu.memory_space<semaphore_mem>>)
      %dma_wait3A = arith.constant 0 : i32
      %dma_wait3A_15 = tpu.memref_slice %arg6[%arg0, %mul3A_4, %dma_wait3A] : memref<2x10112x128xf32, #tpu.memory_space<hbm>> -> memref<1x632x128xf32, #tpu.memory_space<hbm>>
      %dma_wait3A_16 = tpu.memref_squeeze %dma_wait3A_15 : memref<1x632x128xf32, #tpu.memory_space<hbm>> -> memref<632x128xf32, #tpu.memory_space<hbm>>
      %dma_wait3A_17 = arith.constant 0 : i32
      %dma_wait3A_18 = tpu.memref_slice %arg7[%mul3A_4, %dma_wait3A_17] : memref<10112x128xf32, #tpu.memory_space<vmem_shared>> -> memref<632x128xf32, #tpu.memory_space<vmem_shared>>
      tpu.wait_dma2 semaphore(%run_scoped3A : memref<!tpu.dma_semaphore, #tpu.memory_space<semaphore_mem>>) src(%dma_wait3A_18 : memref<632x128xf32, #tpu.memory_space<vmem_shared>>) dst(%dma_wait3A_16 : memref<632x128xf32, #tpu.memory_space<hbm>>)
      tpu.yield
    }) : () -> ()
    return
  }
}

#map = affine_map<(d0, d1) -> (0, 0)>
#map1 = affine_map<(d0, d1) -> (0)>
#map2 = affine_map<(d0, d1) -> (0, 0, 0)>
module attributes {stable_mosaic.version = 14 : i64} {
  func.func @body(%arg0: i32, %arg1: i32, %arg2: memref<10000x128xf32, #tpu.memory_space<hbm>>, %arg3: memref<320000xi32, #tpu.memory_space<hbm>>, %arg4: memref<320000xi32, #tpu.memory_space<hbm>>, %arg5: memref<632x128xf32, #tpu.memory_space<hbm>>, %arg6: memref<80x128xf32, #tpu.memory_space<hbm>>, %arg7: memref<2x10112x128xf32, #tpu.memory_space<hbm>>, %arg8: memref<2x10112x128xf32, #tpu.memory_space<hbm>>, %arg9: memref<10112x128xf32, #tpu.memory_space<vmem_shared>>, %arg10: memref<80xi32, #tpu.memory_space<vmem>>, %arg11: memref<80xi32, #tpu.memory_space<vmem>>, %arg12: memref<80x128xf32, #tpu.memory_space<vmem>>, %arg13: memref<!tpu.dma_semaphore, #tpu.memory_space<semaphore_mem>>, %arg14: memref<80x128xf32, #tpu.memory_space<vmem>>) attributes {dimension_semantics = [#tpu.dimension_semantics<core_parallel>, #tpu.dimension_semantics<subcore_parallel>], iteration_bounds = array<i64: 2, 16>, scalar_prefetch = 0 : i64, scratch_operands = 6 : i64, tpu.core_type = #tpu.core_type<sc_vector_subcore>, window_params = [{transform_indices = #map}, {transform_indices = #map1}, {transform_indices = #map1}, {transform_indices = #map}, {transform_indices = #map}, {transform_indices = #map2}, {transform_indices = #map2}]} {
    %mul3A = arith.constant 16 : i32
    %mul3A_0 = arith.muli %arg0, %mul3A : i32
    %add3A = arith.addi %mul3A_0, %arg1 : i32
    %mul3A_1 = arith.constant 10000 : i32
    %mul3A_2 = arith.muli %add3A, %mul3A_1 : i32
    %mul3A_3 = arith.constant 632 : i32
    %mul3A_4 = arith.muli %arg1, %mul3A_3 : i32
    "tpu.region"() ({
      %run_scoped3A = tpu.sem_alloc : memref<!tpu.dma_semaphore, #tpu.memory_space<semaphore_mem>>
      %dma_start3A = arith.constant 0 : i32
      %dma_start3A_19 = tpu.memref_slice %arg9[%mul3A_4, %dma_start3A] : memref<10112x128xf32, #tpu.memory_space<vmem_shared>> -> memref<632x128xf32, #tpu.memory_space<vmem_shared>>
      tpu.enqueue_dma source(%arg5 : memref<632x128xf32, #tpu.memory_space<hbm>>) target(%dma_start3A_19 : memref<632x128xf32, #tpu.memory_space<vmem_shared>>) target_semaphore(%run_scoped3A : memref<!tpu.dma_semaphore, #tpu.memory_space<semaphore_mem>>)
      %dma_wait3A = arith.constant 0 : i32
      %dma_wait3A_20 = tpu.memref_slice %arg9[%mul3A_4, %dma_wait3A] : memref<10112x128xf32, #tpu.memory_space<vmem_shared>> -> memref<632x128xf32, #tpu.memory_space<vmem_shared>>
      tpu.wait_dma2 semaphore(%run_scoped3A : memref<!tpu.dma_semaphore, #tpu.memory_space<semaphore_mem>>) src(%arg5 : memref<632x128xf32, #tpu.memory_space<hbm>>) dst(%dma_wait3A_20 : memref<632x128xf32, #tpu.memory_space<vmem_shared>>)
      tpu.yield
    }) : () -> ()
    "tpu.region"() ({
      %run_scoped3A = tpu.sem_alloc : memref<!tpu.dma_semaphore, #tpu.memory_space<semaphore_mem>>
      tpu.enqueue_dma source(%arg6 : memref<80x128xf32, #tpu.memory_space<hbm>>) target(%arg14 : memref<80x128xf32, #tpu.memory_space<vmem>>) target_semaphore(%run_scoped3A : memref<!tpu.dma_semaphore, #tpu.memory_space<semaphore_mem>>)
      tpu.wait_dma2 semaphore(%run_scoped3A : memref<!tpu.dma_semaphore, #tpu.memory_space<semaphore_mem>>) src(%arg6 : memref<80x128xf32, #tpu.memory_space<hbm>>) dst(%arg14 : memref<80x128xf32, #tpu.memory_space<vmem>>)
      tpu.yield
    }) : () -> ()
    %barrier3A = arith.constant 0 : index
    tpu.barrier barrier_id(%barrier3A)
    %scan3A = arith.constant 0 : i32
    %scan3A_5 = arith.constant 0 : i32
    %scan3A_6 = arith.constant 125 : i32
    %scan3A_7 = arith.addi %scan3A_5, %scan3A_6 : i32
    %scan3A_8 = arith.constant 1 : i32
    scf.for %scan3A_19 = %scan3A_5 to %scan3A_7 step %scan3A_8  : i32 {
      %mul3A_20 = arith.constant 80 : i32
      %mul3A_21 = arith.muli %scan3A_19, %mul3A_20 : i32
      %add3A_22 = arith.addi %mul3A_2, %mul3A_21 : i32
      "tpu.region"() ({
        %run_scoped3A = tpu.sem_alloc : memref<!tpu.dma_semaphore, #tpu.memory_space<semaphore_mem>>
        %dma_start3A = tpu.memref_slice %arg4[%add3A_22] : memref<320000xi32, #tpu.memory_space<hbm>> -> memref<80xi32, #tpu.memory_space<hbm>>
        %dma_start3A_23 = tpu.memref_slice %arg4[%add3A_22] : memref<320000xi32, #tpu.memory_space<hbm>> -> memref<80xi32, #tpu.memory_space<hbm>>
        tpu.enqueue_dma source(%dma_start3A_23 : memref<80xi32, #tpu.memory_space<hbm>>) target(%arg11 : memref<80xi32, #tpu.memory_space<vmem>>) target_semaphore(%run_scoped3A : memref<!tpu.dma_semaphore, #tpu.memory_space<semaphore_mem>>)
        %dma_wait3A = tpu.memref_slice %arg4[%add3A_22] : memref<320000xi32, #tpu.memory_space<hbm>> -> memref<80xi32, #tpu.memory_space<hbm>>
        %dma_wait3A_24 = tpu.memref_slice %arg4[%add3A_22] : memref<320000xi32, #tpu.memory_space<hbm>> -> memref<80xi32, #tpu.memory_space<hbm>>
        tpu.wait_dma2 semaphore(%run_scoped3A : memref<!tpu.dma_semaphore, #tpu.memory_space<semaphore_mem>>) src(%dma_wait3A_24 : memref<80xi32, #tpu.memory_space<hbm>>) dst(%arg11 : memref<80xi32, #tpu.memory_space<vmem>>)
        tpu.yield
      }) : () -> ()
      "tpu.region"() ({
        %run_scoped3A = tpu.sem_alloc : memref<!tpu.dma_semaphore, #tpu.memory_space<semaphore_mem>>
        %dma_start3A = arith.constant 0 : i32
        %dma_start3A_23 = arith.constant 0 : i32
        %dma_start3A_24 = tpu.memref_slice %arg9[%dma_start3A, %dma_start3A_23] : memref<10112x128xf32, #tpu.memory_space<vmem_shared>> -> memref<10112x128xf32, #tpu.memory_space<vmem_shared>>
        tpu.enqueue_indirect_dma source(%arg14 : memref<80x128xf32, #tpu.memory_space<vmem>>) target(%dma_start3A_24 : memref<10112x128xf32, #tpu.memory_space<vmem_shared>>) offsets(%arg11 : memref<80xi32, #tpu.memory_space<vmem>>) semaphore(%run_scoped3A : memref<!tpu.dma_semaphore, #tpu.memory_space<semaphore_mem>>) {add = true}
        %dma_wait3A = arith.constant 0 : i32
        %dma_wait3A_25 = arith.constant 0 : i32
        %dma_wait3A_26 = tpu.memref_slice %arg9[%dma_wait3A, %dma_wait3A_25] : memref<10112x128xf32, #tpu.memory_space<vmem_shared>> -> memref<10112x128xf32, #tpu.memory_space<vmem_shared>>
        tpu.wait_indirect_dma semaphore(%run_scoped3A : memref<!tpu.dma_semaphore, #tpu.memory_space<semaphore_mem>>) src(%arg14 : memref<80x128xf32, #tpu.memory_space<vmem>>) dst(%dma_wait3A_26 : memref<10112x128xf32, #tpu.memory_space<vmem_shared>>)
        tpu.yield
      }) : () -> ()
    }
    %scan3A_9 = arith.constant 125 : i32
    %barrier3A_10 = arith.constant 0 : index
    tpu.barrier barrier_id(%barrier3A_10)
    "tpu.region"() ({
      %run_scoped3A = tpu.sem_alloc : memref<!tpu.dma_semaphore, #tpu.memory_space<semaphore_mem>>
      %dma_start3A = arith.constant 0 : i32
      %dma_start3A_19 = tpu.memref_slice %arg8[%arg0, %mul3A_4, %dma_start3A] : memref<2x10112x128xf32, #tpu.memory_space<hbm>> -> memref<1x632x128xf32, #tpu.memory_space<hbm>>
      %dma_start3A_20 = tpu.memref_squeeze %dma_start3A_19 : memref<1x632x128xf32, #tpu.memory_space<hbm>> -> memref<632x128xf32, #tpu.memory_space<hbm>>
      %dma_start3A_21 = arith.constant 0 : i32
      %dma_start3A_22 = tpu.memref_slice %arg9[%mul3A_4, %dma_start3A_21] : memref<10112x128xf32, #tpu.memory_space<vmem_shared>> -> memref<632x128xf32, #tpu.memory_space<vmem_shared>>
      tpu.enqueue_dma source(%dma_start3A_22 : memref<632x128xf32, #tpu.memory_space<vmem_shared>>) target(%dma_start3A_20 : memref<632x128xf32, #tpu.memory_space<hbm>>) target_semaphore(%run_scoped3A : memref<!tpu.dma_semaphore, #tpu.memory_space<semaphore_mem>>)
      %dma_wait3A = arith.constant 0 : i32
      %dma_wait3A_23 = tpu.memref_slice %arg8[%arg0, %mul3A_4, %dma_wait3A] : memref<2x10112x128xf32, #tpu.memory_space<hbm>> -> memref<1x632x128xf32, #tpu.memory_space<hbm>>
      %dma_wait3A_24 = tpu.memref_squeeze %dma_wait3A_23 : memref<1x632x128xf32, #tpu.memory_space<hbm>> -> memref<632x128xf32, #tpu.memory_space<hbm>>
      %dma_wait3A_25 = arith.constant 0 : i32
      %dma_wait3A_26 = tpu.memref_slice %arg9[%mul3A_4, %dma_wait3A_25] : memref<10112x128xf32, #tpu.memory_space<vmem_shared>> -> memref<632x128xf32, #tpu.memory_space<vmem_shared>>
      tpu.wait_dma2 semaphore(%run_scoped3A : memref<!tpu.dma_semaphore, #tpu.memory_space<semaphore_mem>>) src(%dma_wait3A_26 : memref<632x128xf32, #tpu.memory_space<vmem_shared>>) dst(%dma_wait3A_24 : memref<632x128xf32, #tpu.memory_space<hbm>>)
      tpu.yield
    }) : () -> ()
    "tpu.region"() ({
      %run_scoped3A = tpu.sem_alloc : memref<!tpu.dma_semaphore, #tpu.memory_space<semaphore_mem>>
      %dma_start3A = arith.constant 0 : i32
      %dma_start3A_19 = tpu.memref_slice %arg9[%mul3A_4, %dma_start3A] : memref<10112x128xf32, #tpu.memory_space<vmem_shared>> -> memref<632x128xf32, #tpu.memory_space<vmem_shared>>
      tpu.enqueue_dma source(%arg5 : memref<632x128xf32, #tpu.memory_space<hbm>>) target(%dma_start3A_19 : memref<632x128xf32, #tpu.memory_space<vmem_shared>>) target_semaphore(%run_scoped3A : memref<!tpu.dma_semaphore, #tpu.memory_space<semaphore_mem>>)
      %dma_wait3A = arith.constant 0 : i32
      %dma_wait3A_20 = tpu.memref_slice %arg9[%mul3A_4, %dma_wait3A] : memref<10112x128xf32, #tpu.memory_space<vmem_shared>> -> memref<632x128xf32, #tpu.memory_space<vmem_shared>>
      tpu.wait_dma2 semaphore(%run_scoped3A : memref<!tpu.dma_semaphore, #tpu.memory_space<semaphore_mem>>) src(%arg5 : memref<632x128xf32, #tpu.memory_space<hbm>>) dst(%dma_wait3A_20 : memref<632x128xf32, #tpu.memory_space<vmem_shared>>)
      tpu.yield
    }) : () -> ()
    %barrier3A_11 = arith.constant 0 : index
    tpu.barrier barrier_id(%barrier3A_11)
    %scan3A_12 = arith.constant 0 : i32
    %scan3A_13 = arith.constant 0 : i32
    %scan3A_14 = arith.constant 125 : i32
    %scan3A_15 = arith.addi %scan3A_13, %scan3A_14 : i32
    %scan3A_16 = arith.constant 1 : i32
    scf.for %scan3A_19 = %scan3A_13 to %scan3A_15 step %scan3A_16  : i32 {
      %mul3A_20 = arith.constant 80 : i32
      %mul3A_21 = arith.muli %scan3A_19, %mul3A_20 : i32
      %add3A_22 = arith.addi %mul3A_2, %mul3A_21 : i32
      "tpu.region"() ({
        %run_scoped3A = tpu.sem_alloc : memref<!tpu.dma_semaphore, #tpu.memory_space<semaphore_mem>>
        %dma_start3A_27 = tpu.memref_slice %arg3[%add3A_22] : memref<320000xi32, #tpu.memory_space<hbm>> -> memref<80xi32, #tpu.memory_space<hbm>>
        %dma_start3A_28 = tpu.memref_slice %arg3[%add3A_22] : memref<320000xi32, #tpu.memory_space<hbm>> -> memref<80xi32, #tpu.memory_space<hbm>>
        tpu.enqueue_dma source(%dma_start3A_28 : memref<80xi32, #tpu.memory_space<hbm>>) target(%arg10 : memref<80xi32, #tpu.memory_space<vmem>>) target_semaphore(%run_scoped3A : memref<!tpu.dma_semaphore, #tpu.memory_space<semaphore_mem>>)
        %dma_wait3A_29 = tpu.memref_slice %arg3[%add3A_22] : memref<320000xi32, #tpu.memory_space<hbm>> -> memref<80xi32, #tpu.memory_space<hbm>>
        %dma_wait3A_30 = tpu.memref_slice %arg3[%add3A_22] : memref<320000xi32, #tpu.memory_space<hbm>> -> memref<80xi32, #tpu.memory_space<hbm>>
        tpu.wait_dma2 semaphore(%run_scoped3A : memref<!tpu.dma_semaphore, #tpu.memory_space<semaphore_mem>>) src(%dma_wait3A_30 : memref<80xi32, #tpu.memory_space<hbm>>) dst(%arg10 : memref<80xi32, #tpu.memory_space<vmem>>)
        tpu.yield
      }) : () -> ()
      "tpu.region"() ({
        %run_scoped3A = tpu.sem_alloc : memref<!tpu.dma_semaphore, #tpu.memory_space<semaphore_mem>>
        %dma_start3A_27 = tpu.memref_slice %arg4[%add3A_22] : memref<320000xi32, #tpu.memory_space<hbm>> -> memref<80xi32, #tpu.memory_space<hbm>>
        %dma_start3A_28 = tpu.memref_slice %arg4[%add3A_22] : memref<320000xi32, #tpu.memory_space<hbm>> -> memref<80xi32, #tpu.memory_space<hbm>>
        tpu.enqueue_dma source(%dma_start3A_28 : memref<80xi32, #tpu.memory_space<hbm>>) target(%arg11 : memref<80xi32, #tpu.memory_space<vmem>>) target_semaphore(%run_scoped3A : memref<!tpu.dma_semaphore, #tpu.memory_space<semaphore_mem>>)
        %dma_wait3A_29 = tpu.memref_slice %arg4[%add3A_22] : memref<320000xi32, #tpu.memory_space<hbm>> -> memref<80xi32, #tpu.memory_space<hbm>>
        %dma_wait3A_30 = tpu.memref_slice %arg4[%add3A_22] : memref<320000xi32, #tpu.memory_space<hbm>> -> memref<80xi32, #tpu.memory_space<hbm>>
        tpu.wait_dma2 semaphore(%run_scoped3A : memref<!tpu.dma_semaphore, #tpu.memory_space<semaphore_mem>>) src(%dma_wait3A_30 : memref<80xi32, #tpu.memory_space<hbm>>) dst(%arg11 : memref<80xi32, #tpu.memory_space<vmem>>)
        tpu.yield
      }) : () -> ()
      %dma_start3A = arith.constant 0 : i32
      %dma_start3A_23 = arith.constant 0 : i32
      %dma_start3A_24 = tpu.memref_slice %arg2[%dma_start3A, %dma_start3A_23] : memref<10000x128xf32, #tpu.memory_space<hbm>> -> memref<10000x128xf32, #tpu.memory_space<hbm>>
      tpu.enqueue_indirect_dma source(%dma_start3A_24 : memref<10000x128xf32, #tpu.memory_space<hbm>>) target(%arg12 : memref<80x128xf32, #tpu.memory_space<vmem>>) offsets(%arg10 : memref<80xi32, #tpu.memory_space<vmem>>) semaphore(%arg13 : memref<!tpu.dma_semaphore, #tpu.memory_space<semaphore_mem>>)
      %dma_wait3A = arith.constant 0 : i32
      %dma_wait3A_25 = arith.constant 0 : i32
      %dma_wait3A_26 = tpu.memref_slice %arg2[%dma_wait3A, %dma_wait3A_25] : memref<10000x128xf32, #tpu.memory_space<hbm>> -> memref<10000x128xf32, #tpu.memory_space<hbm>>
      tpu.wait_indirect_dma semaphore(%arg13 : memref<!tpu.dma_semaphore, #tpu.memory_space<semaphore_mem>>) src(%dma_wait3A_26 : memref<10000x128xf32, #tpu.memory_space<hbm>>) dst(%arg12 : memref<80x128xf32, #tpu.memory_space<vmem>>)
      "tpu.region"() ({
        %run_scoped3A = tpu.sem_alloc : memref<!tpu.dma_semaphore, #tpu.memory_space<semaphore_mem>>
        %dma_start3A_27 = arith.constant 0 : i32
        %dma_start3A_28 = arith.constant 0 : i32
        %dma_start3A_29 = tpu.memref_slice %arg9[%dma_start3A_27, %dma_start3A_28] : memref<10112x128xf32, #tpu.memory_space<vmem_shared>> -> memref<10112x128xf32, #tpu.memory_space<vmem_shared>>
        tpu.enqueue_indirect_dma source(%arg12 : memref<80x128xf32, #tpu.memory_space<vmem>>) target(%dma_start3A_29 : memref<10112x128xf32, #tpu.memory_space<vmem_shared>>) offsets(%arg11 : memref<80xi32, #tpu.memory_space<vmem>>) semaphore(%run_scoped3A : memref<!tpu.dma_semaphore, #tpu.memory_space<semaphore_mem>>) {add = true}
        %dma_wait3A_30 = arith.constant 0 : i32
        %dma_wait3A_31 = arith.constant 0 : i32
        %dma_wait3A_32 = tpu.memref_slice %arg9[%dma_wait3A_30, %dma_wait3A_31] : memref<10112x128xf32, #tpu.memory_space<vmem_shared>> -> memref<10112x128xf32, #tpu.memory_space<vmem_shared>>
        tpu.wait_indirect_dma semaphore(%run_scoped3A : memref<!tpu.dma_semaphore, #tpu.memory_space<semaphore_mem>>) src(%arg12 : memref<80x128xf32, #tpu.memory_space<vmem>>) dst(%dma_wait3A_32 : memref<10112x128xf32, #tpu.memory_space<vmem_shared>>)
        tpu.yield
      }) : () -> ()
    }
    %scan3A_17 = arith.constant 125 : i32
    %barrier3A_18 = arith.constant 0 : index
    tpu.barrier barrier_id(%barrier3A_18)
    "tpu.region"() ({
      %run_scoped3A = tpu.sem_alloc : memref<!tpu.dma_semaphore, #tpu.memory_space<semaphore_mem>>
      %dma_start3A = arith.constant 0 : i32
      %dma_start3A_19 = tpu.memref_slice %arg7[%arg0, %mul3A_4, %dma_start3A] : memref<2x10112x128xf32, #tpu.memory_space<hbm>> -> memref<1x632x128xf32, #tpu.memory_space<hbm>>
      %dma_start3A_20 = tpu.memref_squeeze %dma_start3A_19 : memref<1x632x128xf32, #tpu.memory_space<hbm>> -> memref<632x128xf32, #tpu.memory_space<hbm>>
      %dma_start3A_21 = arith.constant 0 : i32
      %dma_start3A_22 = tpu.memref_slice %arg9[%mul3A_4, %dma_start3A_21] : memref<10112x128xf32, #tpu.memory_space<vmem_shared>> -> memref<632x128xf32, #tpu.memory_space<vmem_shared>>
      tpu.enqueue_dma source(%dma_start3A_22 : memref<632x128xf32, #tpu.memory_space<vmem_shared>>) target(%dma_start3A_20 : memref<632x128xf32, #tpu.memory_space<hbm>>) target_semaphore(%run_scoped3A : memref<!tpu.dma_semaphore, #tpu.memory_space<semaphore_mem>>)
      %dma_wait3A = arith.constant 0 : i32
      %dma_wait3A_23 = tpu.memref_slice %arg7[%arg0, %mul3A_4, %dma_wait3A] : memref<2x10112x128xf32, #tpu.memory_space<hbm>> -> memref<1x632x128xf32, #tpu.memory_space<hbm>>
      %dma_wait3A_24 = tpu.memref_squeeze %dma_wait3A_23 : memref<1x632x128xf32, #tpu.memory_space<hbm>> -> memref<632x128xf32, #tpu.memory_space<hbm>>
      %dma_wait3A_25 = arith.constant 0 : i32
      %dma_wait3A_26 = tpu.memref_slice %arg9[%mul3A_4, %dma_wait3A_25] : memref<10112x128xf32, #tpu.memory_space<vmem_shared>> -> memref<632x128xf32, #tpu.memory_space<vmem_shared>>
      tpu.wait_dma2 semaphore(%run_scoped3A : memref<!tpu.dma_semaphore, #tpu.memory_space<semaphore_mem>>) src(%dma_wait3A_26 : memref<632x128xf32, #tpu.memory_space<vmem_shared>>) dst(%dma_wait3A_24 : memref<632x128xf32, #tpu.memory_space<hbm>>)
      tpu.yield
    }) : () -> ()
    return
  }
}

module attributes {stable_mosaic.version = 14 : i64} {
  func.func @_tc_layer_body(%arg0: i32, %arg1: memref<1000x128xf32, #tpu.memory_space<vmem>>, %arg2: memref<1000x128xf32, #tpu.memory_space<vmem>>, %arg3: memref<1000x128xf32, #tpu.memory_space<vmem>>, %arg4: memref<1000x128xf32, #tpu.memory_space<vmem>>, %arg5: memref<1000x128xf32, #tpu.memory_space<vmem>>, %arg6: memref<128x128xf32, #tpu.memory_space<vmem>>, %arg7: memref<128x128xf32, #tpu.memory_space<vmem>>, %arg8: memref<1x128xf32, #tpu.memory_space<vmem>>, %arg9: memref<1000x128xf32, #tpu.memory_space<vmem>>) attributes {dimension_semantics = [#tpu.dimension_semantics<arbitrary>], iteration_bounds = array<i64: 10>, scalar_prefetch = 0 : i64, scratch_operands = 0 : i64, tpu.core_type = #tpu.core_type<tc>, window_params = [{transform_indices = @transform_0, window_bounds = array<i64: 1000, 128>}, {transform_indices = @transform_1, window_bounds = array<i64: 1000, 128>}, {transform_indices = @transform_2, window_bounds = array<i64: 1000, 128>}, {transform_indices = @transform_3, window_bounds = array<i64: 1000, 128>}, {transform_indices = @transform_4, window_bounds = array<i64: 1000, 128>}, {pipeline_mode = #tpu.pipeline_mode<synchronous>, transform_indices = @transform_5, window_bounds = array<i64: 128, 128>}, {pipeline_mode = #tpu.pipeline_mode<synchronous>, transform_indices = @transform_6, window_bounds = array<i64: 128, 128>}, {pipeline_mode = #tpu.pipeline_mode<synchronous>, transform_indices = @transform_7, window_bounds = array<i64: 1, 128>}, {transform_indices = @transform_8, window_bounds = array<i64: 1000, 128>}]} {
    %get3A = arith.constant 0 : index
    %get3A_0 = arith.constant 0 : index
    %get3A_1 = vector.load %arg4[%get3A, %get3A_0] : memref<1000x128xf32, #tpu.memory_space<vmem>>, vector<1000x1xf32>
    %get3A_2 = arith.constant 0 : index
    %get3A_3 = arith.constant 0 : index
    %get3A_4 = vector.load %arg5[%get3A_2, %get3A_3] : memref<1000x128xf32, #tpu.memory_space<vmem>>, vector<1000x1xf32>
    %add3A = arith.addf %get3A_1, %get3A_4 : vector<1000x1xf32>
    %max3A = arith.constant 1.000000e+00 : f32
    %max3A_5 = vector.broadcast %max3A : f32 to vector<1000x1xf32>
    %max3A_6 = arith.maximumf %add3A, %max3A_5 : vector<1000x1xf32>
    %div3A = arith.constant 1.000000e+00 : f32
    %div3A_7 = vector.broadcast %div3A : f32 to vector<1000x1xf32>
    %div3A_8 = arith.divf %div3A_7, %max3A_6 : vector<1000x1xf32>
    %get3A_9 = arith.constant 0 : index
    %get3A_10 = arith.constant 0 : index
    %get3A_11 = vector.load %arg2[%get3A_9, %get3A_10] : memref<1000x128xf32, #tpu.memory_space<vmem>>, vector<1000x128xf32>
    %get3A_12 = arith.constant 0 : index
    %get3A_13 = arith.constant 0 : index
    %get3A_14 = vector.load %arg3[%get3A_12, %get3A_13] : memref<1000x128xf32, #tpu.memory_space<vmem>>, vector<1000x128xf32>
    %add3A_15 = arith.addf %get3A_11, %get3A_14 : vector<1000x128xf32>
    %mul3A = vector.broadcast %div3A_8 : vector<1000x1xf32> to vector<1000x128xf32>
    %mul3A_16 = arith.mulf %add3A_15, %mul3A : vector<1000x128xf32>
    %get3A_17 = arith.constant 0 : index
    %get3A_18 = arith.constant 0 : index
    %get3A_19 = vector.load %arg1[%get3A_17, %get3A_18] : memref<1000x128xf32, #tpu.memory_space<vmem>>, vector<1000x128xf32>
    %get3A_20 = arith.constant 0 : index
    %get3A_21 = arith.constant 0 : index
    %get3A_22 = vector.load %arg6[%get3A_20, %get3A_21] : memref<128x128xf32, #tpu.memory_space<vmem>>, vector<128x128xf32>
    %dot_general3A = arith.constant dense<0.000000e+00> : vector<1000x128xf32>
    %dot_general3A_23 = tpu.matmul %get3A_19, %get3A_22, %dot_general3A {dimension_numbers = #tpu.dot_dimension_numbers<[1], [0], [0], [1], [0, 0, 1, 1], [], []>, transpose_lhs_hint = false} : vector<1000x128xf32>, vector<128x128xf32>, vector<1000x128xf32> -> vector<1000x128xf32>
    %get3A_24 = arith.constant 0 : index
    %get3A_25 = arith.constant 0 : index
    %get3A_26 = vector.load %arg7[%get3A_24, %get3A_25] : memref<128x128xf32, #tpu.memory_space<vmem>>, vector<128x128xf32>
    %dot_general3A_27 = arith.constant dense<0.000000e+00> : vector<1000x128xf32>
    %dot_general3A_28 = tpu.matmul %mul3A_16, %get3A_26, %dot_general3A_27 {dimension_numbers = #tpu.dot_dimension_numbers<[1], [0], [0], [1], [0, 0, 1, 1], [], []>, transpose_lhs_hint = false} : vector<1000x128xf32>, vector<128x128xf32>, vector<1000x128xf32> -> vector<1000x128xf32>
    %add3A_29 = arith.addf %dot_general3A_23, %dot_general3A_28 : vector<1000x128xf32>
    %get3A_30 = arith.constant 0 : index
    %get3A_31 = arith.constant 0 : index
    %get3A_32 = vector.load %arg8[%get3A_30, %get3A_31] : memref<1x128xf32, #tpu.memory_space<vmem>>, vector<1x128xf32>
    %add3A_33 = vector.broadcast %get3A_32 : vector<1x128xf32> to vector<1000x128xf32>
    %add3A_34 = arith.addf %add3A_29, %add3A_33 : vector<1000x128xf32>
    %max3A_35 = arith.constant 0.000000e+00 : f32
    %max3A_36 = vector.broadcast %max3A_35 : f32 to vector<1000x128xf32>
    %max3A_37 = arith.maximumf %add3A_34, %max3A_36 : vector<1000x128xf32>
    %swap3A = arith.constant 0 : index
    %swap3A_38 = arith.constant 0 : index
    %swap3A_39 = vector.load %arg9[%swap3A, %swap3A_38] : memref<1000x128xf32, #tpu.memory_space<vmem>>, vector<1000x128xf32>
    tpu.vector_store %arg9[%swap3A, %swap3A_38], %max3A_37 {strides = array<i32>} : memref<1000x128xf32, #tpu.memory_space<vmem>>, vector<1000x128xf32>,
    return
  }
  func.func @transform_0(%arg0: i32) -> (i32, i32) {
    %c0_i32 = arith.constant 0 : i32
    %c0_i32_0 = arith.constant 0 : i32
    return %arg0, %c0_i32 : i32, i32
  }
  func.func @transform_1(%arg0: i32) -> (i32, i32) {
    %c0_i32 = arith.constant 0 : i32
    %c0_i32_0 = arith.constant 0 : i32
    return %arg0, %c0_i32 : i32, i32
  }
  func.func @transform_2(%arg0: i32) -> (i32, i32) {
    %c0_i32 = arith.constant 0 : i32
    %c0_i32_0 = arith.constant 0 : i32
    return %arg0, %c0_i32 : i32, i32
  }
  func.func @transform_3(%arg0: i32) -> (i32, i32) {
    %c0_i32 = arith.constant 0 : i32
    %c0_i32_0 = arith.constant 0 : i32
    return %arg0, %c0_i32 : i32, i32
  }
  func.func @transform_4(%arg0: i32) -> (i32, i32) {
    %c0_i32 = arith.constant 0 : i32
    %c0_i32_0 = arith.constant 0 : i32
    return %arg0, %c0_i32 : i32, i32
  }
  func.func @transform_5(%arg0: i32) -> (i32, i32) {
    %c0_i32 = arith.constant 0 : i32
    %c0_i32_0 = arith.constant 0 : i32
    %c0_i32_1 = arith.constant 0 : i32
    return %c0_i32, %c0_i32_0 : i32, i32
  }
  func.func @transform_6(%arg0: i32) -> (i32, i32) {
    %c0_i32 = arith.constant 0 : i32
    %c0_i32_0 = arith.constant 0 : i32
    %c0_i32_1 = arith.constant 0 : i32
    return %c0_i32, %c0_i32_0 : i32, i32
  }
  func.func @transform_7(%arg0: i32) -> (i32, i32) {
    %c0_i32 = arith.constant 0 : i32
    %c0_i32_0 = arith.constant 0 : i32
    %c0_i32_1 = arith.constant 0 : i32
    return %c0_i32, %c0_i32_0 : i32, i32
  }
  func.func @transform_8(%arg0: i32) -> (i32, i32) {
    %c0_i32 = arith.constant 0 : i32
    %c0_i32_0 = arith.constant 0 : i32
    return %arg0, %c0_i32 : i32, i32
  }
}

module attributes {stable_mosaic.version = 14 : i64} {
  func.func @_tc_final_body(%arg0: i32, %arg1: memref<1000x128xf32, #tpu.memory_space<vmem>>, %arg2: memref<1000x128xf32, #tpu.memory_space<vmem>>, %arg3: memref<1000x128xf32, #tpu.memory_space<vmem>>, %arg4: memref<1000x128xf32, #tpu.memory_space<vmem>>, %arg5: memref<1000x128xf32, #tpu.memory_space<vmem>>, %arg6: memref<128x128xf32, #tpu.memory_space<vmem>>, %arg7: memref<128x128xf32, #tpu.memory_space<vmem>>, %arg8: memref<1x128xf32, #tpu.memory_space<vmem>>, %arg9: memref<128x40xf32, #tpu.memory_space<vmem>>, %arg10: memref<1x40xf32, #tpu.memory_space<vmem>>, %arg11: memref<1x40xf32, #tpu.memory_space<vmem>>, %arg12: memref<1x128xf32, #tpu.memory_space<vmem>>) attributes {dimension_semantics = [#tpu.dimension_semantics<arbitrary>], iteration_bounds = array<i64: 10>, scalar_prefetch = 0 : i64, scratch_operands = 0 : i64, tpu.core_type = #tpu.core_type<tc>, window_params = [{transform_indices = @transform_0, window_bounds = array<i64: 1000, 128>}, {transform_indices = @transform_1, window_bounds = array<i64: 1000, 128>}, {transform_indices = @transform_2, window_bounds = array<i64: 1000, 128>}, {transform_indices = @transform_3, window_bounds = array<i64: 1000, 128>}, {transform_indices = @transform_4, window_bounds = array<i64: 1000, 128>}, {pipeline_mode = #tpu.pipeline_mode<synchronous>, transform_indices = @transform_5, window_bounds = array<i64: 128, 128>}, {pipeline_mode = #tpu.pipeline_mode<synchronous>, transform_indices = @transform_6, window_bounds = array<i64: 128, 128>}, {pipeline_mode = #tpu.pipeline_mode<synchronous>, transform_indices = @transform_7, window_bounds = array<i64: 1, 128>}, {pipeline_mode = #tpu.pipeline_mode<synchronous>, transform_indices = @transform_8, window_bounds = array<i64: 128, 40>}, {pipeline_mode = #tpu.pipeline_mode<synchronous>, transform_indices = @transform_9, window_bounds = array<i64: 1, 40>}, {pipeline_mode = #tpu.pipeline_mode<synchronous>, transform_indices = @transform_10, window_bounds = array<i64: 1, 40>}, {pipeline_mode = #tpu.pipeline_mode<synchronous>, transform_indices = @transform_11, window_bounds = array<i64: 1, 128>}]} {
    %get3A = arith.constant 0 : index
    %get3A_0 = arith.constant 0 : index
    %get3A_1 = vector.load %arg4[%get3A, %get3A_0] : memref<1000x128xf32, #tpu.memory_space<vmem>>, vector<1000x1xf32>
    %get3A_2 = arith.constant 0 : index
    %get3A_3 = arith.constant 0 : index
    %get3A_4 = vector.load %arg5[%get3A_2, %get3A_3] : memref<1000x128xf32, #tpu.memory_space<vmem>>, vector<1000x1xf32>
    %add3A = arith.addf %get3A_1, %get3A_4 : vector<1000x1xf32>
    %max3A = arith.constant 1.000000e+00 : f32
    %max3A_5 = vector.broadcast %max3A : f32 to vector<1000x1xf32>
    %max3A_6 = arith.maximumf %add3A, %max3A_5 : vector<1000x1xf32>
    %div3A = arith.constant 1.000000e+00 : f32
    %div3A_7 = vector.broadcast %div3A : f32 to vector<1000x1xf32>
    %div3A_8 = arith.divf %div3A_7, %max3A_6 : vector<1000x1xf32>
    %get3A_9 = arith.constant 0 : index
    %get3A_10 = arith.constant 0 : index
    %get3A_11 = vector.load %arg2[%get3A_9, %get3A_10] : memref<1000x128xf32, #tpu.memory_space<vmem>>, vector<1000x128xf32>
    %get3A_12 = arith.constant 0 : index
    %get3A_13 = arith.constant 0 : index
    %get3A_14 = vector.load %arg3[%get3A_12, %get3A_13] : memref<1000x128xf32, #tpu.memory_space<vmem>>, vector<1000x128xf32>
    %add3A_15 = arith.addf %get3A_11, %get3A_14 : vector<1000x128xf32>
    %mul3A = vector.broadcast %div3A_8 : vector<1000x1xf32> to vector<1000x128xf32>
    %mul3A_16 = arith.mulf %add3A_15, %mul3A : vector<1000x128xf32>
    %get3A_17 = arith.constant 0 : index
    %get3A_18 = arith.constant 0 : index
    %get3A_19 = vector.load %arg1[%get3A_17, %get3A_18] : memref<1000x128xf32, #tpu.memory_space<vmem>>, vector<1000x128xf32>
    %get3A_20 = arith.constant 0 : index
    %get3A_21 = arith.constant 0 : index
    %get3A_22 = vector.load %arg6[%get3A_20, %get3A_21] : memref<128x128xf32, #tpu.memory_space<vmem>>, vector<128x128xf32>
    %dot_general3A = arith.constant dense<0.000000e+00> : vector<1000x128xf32>
    %dot_general3A_23 = tpu.matmul %get3A_19, %get3A_22, %dot_general3A {dimension_numbers = #tpu.dot_dimension_numbers<[1], [0], [0], [1], [0, 0, 1, 1], [], []>, transpose_lhs_hint = false} : vector<1000x128xf32>, vector<128x128xf32>, vector<1000x128xf32> -> vector<1000x128xf32>
    %get3A_24 = arith.constant 0 : index
    %get3A_25 = arith.constant 0 : index
    %get3A_26 = vector.load %arg7[%get3A_24, %get3A_25] : memref<128x128xf32, #tpu.memory_space<vmem>>, vector<128x128xf32>
    %dot_general3A_27 = arith.constant dense<0.000000e+00> : vector<1000x128xf32>
    %dot_general3A_28 = tpu.matmul %mul3A_16, %get3A_26, %dot_general3A_27 {dimension_numbers = #tpu.dot_dimension_numbers<[1], [0], [0], [1], [0, 0, 1, 1], [], []>, transpose_lhs_hint = false} : vector<1000x128xf32>, vector<128x128xf32>, vector<1000x128xf32> -> vector<1000x128xf32>
    %add3A_29 = arith.addf %dot_general3A_23, %dot_general3A_28 : vector<1000x128xf32>
    %get3A_30 = arith.constant 0 : index
    %get3A_31 = arith.constant 0 : index
    %get3A_32 = vector.load %arg8[%get3A_30, %get3A_31] : memref<1x128xf32, #tpu.memory_space<vmem>>, vector<1x128xf32>
    %add3A_33 = vector.broadcast %get3A_32 : vector<1x128xf32> to vector<1000x128xf32>
    %add3A_34 = arith.addf %add3A_29, %add3A_33 : vector<1000x128xf32>
    %max3A_35 = arith.constant 0.000000e+00 : f32
    %max3A_36 = vector.broadcast %max3A_35 : f32 to vector<1000x128xf32>
    %max3A_37 = arith.maximumf %add3A_34, %max3A_36 : vector<1000x128xf32>
    %eq3A = arith.constant 0 : i32
    %eq3A_38 = arith.cmpi eq, %arg0, %eq3A : i32
    %convert_element_type3A = arith.extui %eq3A_38 : i1 to i32
    %cond3A = arith.constant 0 : i32
    %cond3A_39 = arith.cmpi ne, %convert_element_type3A, %cond3A : i32
    scf.if %cond3A_39 {
      %broadcast_in_dim3A_52 = arith.constant 0.000000e+00 : f32
      %broadcast_in_dim3A_53 = vector.broadcast %broadcast_in_dim3A_52 : f32 to vector<1x128xf32>
      %swap3A_54 = arith.constant 0 : index
      %swap3A_55 = arith.constant 0 : index
      %swap3A_56 = vector.load %arg12[%swap3A_54, %swap3A_55] : memref<1x128xf32, #tpu.memory_space<vmem>>, vector<1x128xf32>
      tpu.vector_store %arg12[%swap3A_54, %swap3A_55], %broadcast_in_dim3A_53 {strides = array<i32>} : memref<1x128xf32, #tpu.memory_space<vmem>>, vector<1x128xf32>,
    } else {
    }
    %get3A_40 = arith.constant 0 : index
    %get3A_41 = arith.constant 0 : index
    %get3A_42 = vector.load %arg12[%get3A_40, %get3A_41] : memref<1x128xf32, #tpu.memory_space<vmem>>, vector<1x128xf32>
    %reduce_sum3A = arith.constant dense<0.000000e+00> : vector<128xf32>
    %reduce_sum3A_43 = vector.multi_reduction <add>, %max3A_37, %reduce_sum3A [0] : vector<1000x128xf32> to vector<128xf32>
    %broadcast_in_dim3A = vector.shape_cast %reduce_sum3A_43 : vector<128xf32> to vector<1x128xf32>
    %add3A_44 = arith.addf %get3A_42, %broadcast_in_dim3A : vector<1x128xf32>
    %swap3A = arith.constant 0 : index
    %swap3A_45 = arith.constant 0 : index
    %swap3A_46 = vector.load %arg12[%swap3A, %swap3A_45] : memref<1x128xf32, #tpu.memory_space<vmem>>, vector<1x128xf32>
    tpu.vector_store %arg12[%swap3A, %swap3A_45], %add3A_44 {strides = array<i32>} : memref<1x128xf32, #tpu.memory_space<vmem>>, vector<1x128xf32>,
    %eq3A_47 = arith.constant 9 : i32
    %eq3A_48 = arith.cmpi eq, %arg0, %eq3A_47 : i32
    %convert_element_type3A_49 = arith.extui %eq3A_48 : i1 to i32
    %cond3A_50 = arith.constant 0 : i32
    %cond3A_51 = arith.cmpi ne, %convert_element_type3A_49, %cond3A_50 : i32
    scf.if %cond3A_51 {
      %get3A_52 = arith.constant 0 : index
      %get3A_53 = arith.constant 0 : index
      %get3A_54 = vector.load %arg12[%get3A_52, %get3A_53] : memref<1x128xf32, #tpu.memory_space<vmem>>, vector<1x128xf32>
      %mul3A_55 = arith.constant 9.99999974E-5 : f32
      %mul3A_56 = vector.broadcast %mul3A_55 : f32 to vector<1x128xf32>
      %mul3A_57 = arith.mulf %get3A_54, %mul3A_56 : vector<1x128xf32>
      %swap3A_58 = arith.constant 0 : index
      %swap3A_59 = arith.constant 0 : index
      %swap3A_60 = vector.load %arg12[%swap3A_58, %swap3A_59] : memref<1x128xf32, #tpu.memory_space<vmem>>, vector<1x128xf32>
      tpu.vector_store %arg12[%swap3A_58, %swap3A_59], %mul3A_57 {strides = array<i32>} : memref<1x128xf32, #tpu.memory_space<vmem>>, vector<1x128xf32>,
      %get3A_61 = arith.constant 0 : index
      %get3A_62 = arith.constant 0 : index
      %get3A_63 = vector.load %arg9[%get3A_61, %get3A_62] : memref<128x40xf32, #tpu.memory_space<vmem>>, vector<128x40xf32>
      %dot_general3A_64 = arith.constant dense<0.000000e+00> : vector<1x40xf32>
      %dot_general3A_65 = tpu.matmul %mul3A_57, %get3A_63, %dot_general3A_64 {dimension_numbers = #tpu.dot_dimension_numbers<[1], [0], [0], [1], [0, 0, 1, 1], [], []>, transpose_lhs_hint = false} : vector<1x128xf32>, vector<128x40xf32>, vector<1x40xf32> -> vector<1x40xf32>
      %get3A_66 = arith.constant 0 : index
      %get3A_67 = arith.constant 0 : index
      %get3A_68 = vector.load %arg10[%get3A_66, %get3A_67] : memref<1x40xf32, #tpu.memory_space<vmem>>, vector<1x40xf32>
      %add3A_69 = arith.addf %dot_general3A_65, %get3A_68 : vector<1x40xf32>
      %swap3A_70 = arith.constant 0 : index
      %swap3A_71 = arith.constant 0 : index
      %swap3A_72 = vector.load %arg11[%swap3A_70, %swap3A_71] : memref<1x40xf32, #tpu.memory_space<vmem>>, vector<1x40xf32>
      tpu.vector_store %arg11[%swap3A_70, %swap3A_71], %add3A_69 {strides = array<i32>} : memref<1x40xf32, #tpu.memory_space<vmem>>, vector<1x40xf32>,
    } else {
    }
    return
  }
  func.func @transform_0(%arg0: i32) -> (i32, i32) {
    %c0_i32 = arith.constant 0 : i32
    %c0_i32_0 = arith.constant 0 : i32
    return %arg0, %c0_i32 : i32, i32
  }
  func.func @transform_1(%arg0: i32) -> (i32, i32) {
    %c0_i32 = arith.constant 0 : i32
    %c0_i32_0 = arith.constant 0 : i32
    return %arg0, %c0_i32 : i32, i32
  }
  func.func @transform_2(%arg0: i32) -> (i32, i32) {
    %c0_i32 = arith.constant 0 : i32
    %c0_i32_0 = arith.constant 0 : i32
    return %arg0, %c0_i32 : i32, i32
  }
  func.func @transform_3(%arg0: i32) -> (i32, i32) {
    %c0_i32 = arith.constant 0 : i32
    %c0_i32_0 = arith.constant 0 : i32
    return %arg0, %c0_i32 : i32, i32
  }
  func.func @transform_4(%arg0: i32) -> (i32, i32) {
    %c0_i32 = arith.constant 0 : i32
    %c0_i32_0 = arith.constant 0 : i32
    return %arg0, %c0_i32 : i32, i32
  }
  func.func @transform_5(%arg0: i32) -> (i32, i32) {
    %c0_i32 = arith.constant 0 : i32
    %c0_i32_0 = arith.constant 0 : i32
    %c0_i32_1 = arith.constant 0 : i32
    return %c0_i32, %c0_i32_0 : i32, i32
  }
  func.func @transform_6(%arg0: i32) -> (i32, i32) {
    %c0_i32 = arith.constant 0 : i32
    %c0_i32_0 = arith.constant 0 : i32
    %c0_i32_1 = arith.constant 0 : i32
    return %c0_i32, %c0_i32_0 : i32, i32
  }
  func.func @transform_7(%arg0: i32) -> (i32, i32) {
    %c0_i32 = arith.constant 0 : i32
    %c0_i32_0 = arith.constant 0 : i32
    %c0_i32_1 = arith.constant 0 : i32
    return %c0_i32, %c0_i32_0 : i32, i32
  }
  func.func @transform_8(%arg0: i32) -> (i32, i32) {
    %c0_i32 = arith.constant 0 : i32
    %c0_i32_0 = arith.constant 0 : i32
    %c0_i32_1 = arith.constant 0 : i32
    return %c0_i32, %c0_i32_0 : i32, i32
  }
  func.func @transform_9(%arg0: i32) -> (i32, i32) {
    %c0_i32 = arith.constant 0 : i32
    %c0_i32_0 = arith.constant 0 : i32
    %c0_i32_1 = arith.constant 0 : i32
    return %c0_i32, %c0_i32_0 : i32, i32
  }
  func.func @transform_10(%arg0: i32) -> (i32, i32) {
    %c0_i32 = arith.constant 0 : i32
    %c0_i32_0 = arith.constant 0 : i32
    %c0_i32_1 = arith.constant 0 : i32
    return %c0_i32, %c0_i32_0 : i32, i32
  }
  func.func @transform_11(%arg0: i32) -> (i32, i32) {
    %c0_i32 = arith.constant 0 : i32
    %c0_i32_0 = arith.constant 0 : i32
    %c0_i32_1 = arith.constant 0 : i32
    return %c0_i32, %c0_i32_0 : i32, i32
  }
}

</mosaic_0001>

<sc_bundles>
// kernel: kernel.6.cloned.1.call-start
scs
__scs_entry_jumppad:
0x0: {  	(pc) =	sbr.rel $0x88, $3  }
0x1: {  	(tag) =	ssettag $0x0;
	lr =	simm.s32 $0x1  }
0x2: {  	[smem:$0x3F97] =	sst lr;
	_ =	strace $0xD0000000  }
0x3: {  	_ = 	snop  }
0x4: {  	_ = 	snop  }
0x5: {  	_ = 	snop  }
0x6: {  	_ = 	snop  }
0x7: {  	_ = 	snop  }
__scs_overlays_trampoline_lowered:
0x8: {  	[smem:$0x3FA6] =	sst s0  }
0x9: {  	[smem:$0x3FA7] =	sst s1  }
0xa: {  	[smem:$0x3FA8] =	sst s2  }
0xb: {  	[smem:$0x3FA9] =	sst s3  }
0xc: {  	[smem:$0x3FAA] =	sst s4  }
0xd: {  	[smem:$0x3FAB] =	sst s5  }
0xe: {  	[smem:$0x3FAC] =	sst s6  }
0xf: {  	[smem:$0x3FAD] =	sst s7  }
0x10: {  	[smem:$0x3FAE] =	sst s8  }
0x11: {  	[smem:$0x3FAF] =	sst s9;
	s0 =	simm.s32 @!p0 $0x0  }
0x12: {  	s1 =	sld [smem:$0x3F95];
	s0 =	simm.s32 @p0 $0x1  }
0x13: {  	[smem:$0x3FB0] =	sst s0;
	s0 =	simm.s32 @!p1 $0x0  }
0x14: {  	s2 =	sld [smem:$0x3F94];
	s0 =	simm.s32 @p1 $0x1  }
0x15: {  	[smem:$0x3FB1] =	sst s0;
	s0 =	simm.s32 @!p2 $0x0  }
0x16: {  	s3 =	sld [smem:$0x3FDB];
	s0 =	simm.s32 @p2 $0x1  }
0x17: {  	s4 =	simm.s32 $0x1BF5;
	[smem:$0x3FB3] =	sst s0  }
0x18: {  	s0 =	sld [smem:$0x3F96];
	_ =	swait.ge [sflag:s4], $0x0  }
0x19: {  	s7 =	sld [smem:$0x3F97]  }
0x1a: {  	s8 =	sadd.s32 $0xFFFFE003, lr  }
0x1b: {  	s9 =	sadd.s32 $0xFFFFFEF7, lr;
	s5 =	simm.s32 $0xFFFFFFFF;
	p2 =	slt.u32 s8, $0xFFFFF086  }
0x1c: {  	p1 =	slt.u32 s9, $0xF7A;
	s5 =	simm.s32 @!p2 $0x0  }
0x1d: {  	s5 =	simm.s32 @p1 $0x1;
	p0 =	seq.s32 s7, s2  }
0x1e: {  	s7 =	smul.u32 @!p0 $0xF7A, s2;
	p2 =	seq.s32 @!p0 s5, $0x0  }
0x1f: {  	s9 =	smul.u32 $0xF7A, s1;
	s8 =	simm.s32 @!p0 $0x1BF5;
	p2 =	por !p2, p0  }
0x20: {  	[sflag:s8] =	ssyncset.s32 @!p0 $0xFFFFF086;
	s6 =	sadd.s32 @!p0 s3, s7;
	s7 =	simm.s32 @!p0 $0x108  }
0x21: {  	s3 =	sadd.s32 s3, s9;
	s6 =	sadd.s32 @!p0 $0x88, s6;
	s7 =	simm.s32 @p2 $0x1082  }
0x22: {  	[simem:s7], [sflag:s8] =	dma.local @!p0 [hbm:s6], $0xF7A  }
0x23: {  	s9 =	sor.u32 $0xD0000000, s2;
	s6 =	simm.s32 $0x108;
	_ =	swait.ge @!p0 [sflag:s8], $0x0  }
0x24: {  	s3 =	sadd.s32 $0x88, s3;
	s6 =	simm.s32 @!p1 $0x1082;
	[sflag:s4] =	ssyncset.s32 $0xFFFFF086  }
0x25: {  	[simem:s6], [sflag:s4] =	dma.local [hbm:s3], $0xF7A  }
0x26: {  	[smem:$0x3F97] =	sst s1;
	(tag) =	ssettag s2;
	_ =	strace s9  }
0x27: {  	s1 =	sld [smem:$0x3FA7]  }
0x28: {  	s2 =	sld [smem:$0x3FA8]  }
0x29: {  	s4 =	sld [smem:$0x3FAA]  }
0x2a: {  	p0 =	seq.s32 s5, $0x0;
	s5 =	sld [smem:$0x3FAB]  }
0x2b: {  	s6 =	sld [smem:$0x3FAC]  }
0x2c: {  	s7 =	sld [smem:$0x3FAD]  }
0x2d: {  	s3 =	simm.s32 $0x108;
	s8 =	sld [smem:$0x3FAE]  }
0x2e: {  	s3 =	simm.s32 @!p0 $0x1082;
	s9 =	sld [smem:$0x3FAF]  }
0x2f: {  	lr =	sadd.s32 s0, s3;
	s0 =	sld [smem:$0x3FA6]  }
0x30: {  	s3 =	sld [smem:$0x3FA9]  }
0x31: {  	[smem:$0x3FB2] =	sst s10  }
0x32: {  	s10 =	sld [smem:$0x3FB0];
	_ =	sdelay $0x3  }
0x33: {  	p0 =	seq.s32 s10, $0x1;
	s10 =	sld [smem:$0x3FB2];
	_ =	sdelay $0x3  }
0x34: {  	[smem:$0x3FB2] =	sst s10  }
0x35: {  	s10 =	sld [smem:$0x3FB1];
	_ =	sdelay $0x3  }
0x36: {  	p1 =	seq.s32 s10, $0x1;
	s10 =	sld [smem:$0x3FB2];
	_ =	sdelay $0x3  }
0x37: {  	[smem:$0x3FB2] =	sst s10  }
0x38: {  	s10 =	sld [smem:$0x3FB3]  }
0x39: {  	_ = 	snop;
	(pc) =	sbr.ind lr, $3  }
0x3a: {  	_ = 	snop  }
0x3b: {  	_ = 	snop  }
0x3c: {  	p2 =	seq.s32 s10, $0x1;
	s10 =	sld [smem:$0x3FB2]  }
0x3d: {  	_ =	shalt  }
0x3e: {  	_ =	shalt  }
0x3f: {  	_ =	shalt  }
0x40: {  	_ =	shalt  }
0x41: {  	_ =	shalt  }
0x42: {  	_ =	shalt  }
0x43: {  	_ =	shalt  }
0x44: {  	_ =	shalt  }
0x45: {  	_ =	shalt  }
0x46: {  	_ =	shalt  }
0x47: {  	_ =	shalt  }
0x48: {  	_ =	shalt  }
0x49: {  	_ =	shalt  }
0x4a: {  	_ =	shalt  }
0x4b: {  	_ =	shalt  }
0x4c: {  	_ =	shalt  }
0x4d: {  	_ =	shalt  }
0x4e: {  	_ =	shalt  }
0x4f: {  	_ =	shalt  }
0x50: {  	_ =	shalt  }
0x51: {  	_ =	shalt  }
0x52: {  	_ =	shalt  }
0x53: {  	_ =	shalt  }
0x54: {  	_ =	shalt  }
0x55: {  	_ =	shalt  }
0x56: {  	_ =	shalt  }
0x57: {  	_ =	shalt  }
0x58: {  	_ =	shalt  }
0x59: {  	_ =	shalt  }
0x5a: {  	_ =	shalt  }
0x5b: {  	_ =	shalt  }
0x5c: {  	_ =	shalt  }
0x5d: {  	_ =	shalt  }
0x5e: {  	_ =	shalt  }
0x5f: {  	_ =	shalt  }
0x60: {  	_ =	shalt  }
0x61: {  	_ =	shalt  }
0x62: {  	_ =	shalt  }
0x63: {  	_ =	shalt  }
0x64: {  	_ =	shalt  }
0x65: {  	_ =	shalt  }
0x66: {  	_ =	shalt  }
0x67: {  	_ =	shalt  }
0x68: {  	_ =	shalt  }
0x69: {  	_ =	shalt  }
0x6a: {  	_ =	shalt  }
0x6b: {  	_ =	shalt  }
0x6c: {  	_ =	shalt  }
0x6d: {  	_ =	shalt  }
0x6e: {  	_ =	shalt  }
0x6f: {  	_ =	shalt  }
0x70: {  	_ =	shalt  }
0x71: {  	_ =	shalt  }
0x72: {  	_ =	shalt  }
0x73: {  	_ =	shalt  }
0x74: {  	_ =	shalt  }
0x75: {  	_ =	shalt  }
0x76: {  	_ =	shalt  }
0x77: {  	_ =	shalt  }
0x78: {  	_ =	shalt  }
0x79: {  	_ =	shalt  }
0x7a: {  	_ =	shalt  }
0x7b: {  	_ =	shalt  }
0x7c: {  	_ =	shalt  }
0x7d: {  	_ =	shalt  }
0x7e: {  	_ =	shalt  }
0x7f: {  	_ =	shalt  }
0x80: {  	_ =	shalt  }
0x81: {  	_ =	shalt  }
0x82: {  	_ =	shalt  }
0x83: {  	_ =	shalt  }
0x84: {  	_ =	shalt  }
0x85: {  	_ =	shalt  }
0x86: {  	_ =	shalt  }
0x87: {  	_ =	shalt  }
.Lfunc_end0:
.L_simem_size_0:
called_computation_lowered:
.L_overlay_start_0:
0x88: {  	s2 =	sld [smem:$0x3FD9]  }
0x89: {  	s3 =	sld [smem:$0x3FFE];
	_ =	sdelay $0x1  }
0x8a: {  	s1 =	srdreg.scid  }
0x8b: {  	s0 =	sand.u32 $0x1, s1  }
0x8c: {  	s17 =	sshll.u32 s0, $0xA;
	s2 =	sadd.s32 s3, s2  }
0x8d: {  	s2 =	sadd.s32 s2, s17  }
0x8e: {  	[smem:$0x3FBE] =	sst s2  }
0x8f: {  	_ = 	snop  }
0x90: {  	s2 =	sld [smem:$0x3FC9];
	(tm) =	ssettm $0x1  }
0x91: {  	s18 =	sld [smem:$0x3FFB];
	_ =	sdelay $0x3  }
0x92: {  	_ =	strace s18  }
0x93: {  	s3 =	sld [smem:$0x3FFC];
	_ =	sdelay $0x3  }
0x94: {  	_ =	strace s3  }
0x95: {  	s3 =	sld [smem:$0x3FFD];
	_ =	sdelay $0x3  }
0x96: {  	_ =	strace s3  }
0x97: {  	_ =	strace $0x8FFFFFFF  }
0x98: {  	s19 =	sld [smem:$0x3FDB];
	_ =	sdelay $0x1  }
0x99: {  	s4 =	simm.s32 $_scs_section_size  }
0x9a: {  	s5 =	simm.s32 $_size__tile_overlayer_lowered;
	s6 =	simm.s32 $_tile_overlayer_lowered  }
0x9b: {  	s22 =	simm.s32 $0x1BFF;
	s21 =	sshll.u32 s6, $0x1;
	s3 =	sadd.s32 s4, s19  }
0x9c: {  	s7 =	simm.s32 $0x0;
	s20 =	sshll.u32 s5, $0x1;
	s5 =	sadd.s32 s21, s3  }
0x9d: {  	[timem:s7], [sflag:s22] =	dma.local [hbm:s5], s20  }
0x9e: {  	_ =	swait.ge [sflag:s22], s20  }
0x9f: {  	s4 =	ssub.s32 $0x0, s20;
	[sflag:s22] =	ssyncset.done $0x0  }
0xa0: {  	[sflag:s22] =	ssyncadd.s32 s4;
	_ =	sdelay $0x1  }
0xa1: {  	s23 =	simm.s32 $0x1B8B  }
0xa2: {  	_ =	swait.ge [sflag:s23], $0x1  }
0xa3: {  	[sflag:s23] =	ssyncset.done $0x0  }
0xa4: {  	s25 =	simm.s32 $0x1B8E;
	s24 =	sld [smem:$0x3FFE];
	[sflag:s23] =	ssyncadd.s32 $0xFFFFFFFF  }
0xa5: {  	s26 =	simm.s32 $execute0_lowered;
	[smem:$0x3FD2] =	sst s25  }
0xa6: {  	s5 =	sshll.u32 s26, $0x1;
	_ =	strace $0x80000046;
	[dreg:$0x1] =	wrdreg $0xFFFFFFFF  }
0xa7: {  	s28 =	simm.s32 $_size_execute0_lowered;
	s3 =	sadd.s32 s3, s5;
	[dreg:$0x0] =	wrdreg $0x0  }
0xa8: {  	s5 =	sshll.u32 s28, $0x1;
	[dreg:$0x2] =	wrdreg s3  }
0xa9: {  	[dreg:$0x3] =	wrdreg s5  }
0xaa: {  	[dreg:$0x4] =	wrdreg $0xC0  }
0xab: {  	_ =	task [dreg:s7], $0x5FFFF  }
0xac: {  	[dreg:$0x1] =	wrdreg $0xFFFFFFFF  }
0xad: {  	[dreg:$0x0] =	wrdreg $0x60  }
0xae: {  	[dreg:$0x2] =	wrdreg s2  }
0xaf: {  	[dreg:$0x3] =	wrdreg s24  }
0xb0: {  	[dreg:$0x4] =	wrdreg $0x0  }
0xb1: {  	[dreg:$0x5] =	wrdreg $0x9  }
0xb2: {  	_ =	task.clear_ibuf [dreg:s7], $0x6FFFF;
	_ =	strace $0x90000046  }
0xb3: {  	s29 =	simm.s32 $0x9;
	_ =	strace $0x80000048  }
0xb4: {  	_ =	swait.ge [sflag:s29], $0x1  }
0xb5: {  	[sflag:s29] =	ssyncadd.s32 $0xFFFFFFFF  }
0xb6: {  	_ =	strace $0x90000048  }
0xb7: {  	_ =	sfence  }
0xb8: {  	s30 =	sld [smem:$0x0];
	_ =	sdelay $0x2  }
0xb9: {  	s31 =	sshll.u32 s1, $0xD;
	s1 =	sshrl.u32 s1, $0x2  }
0xba: {  	s3 =	sand.u32 $0x4000, s31;
	s1 =	sadd.s32 s1, s30  }
0xbb: {  	s0 =	sor.u32 s3, s0;
	s1 =	sshll.u32 s1, $0x11  }
0xbc: {  	s0 =	sor.u32 s1, s0  }
0xbd: {  	s0 =	sadd.s32 $0x8F2B, s0  }
0xbe: {  	[sflag:s0] =	ssyncadd.remote.s32 $0x1  }
0xbf: {  	_ =	sfence.sel $0xFFFF  }
0xc0: {  	[dreg:$0x0] =	wrdreg $0xFFFFFFFF;
	(pc) =	sbr.abs _section_cstart, $3  }
0xc1: {  	[dreg:$0x1] =	wrdreg $0xFFFFFFFF  }
0xc2: {  	_ =	task.clear_ibuf [dreg:s7], $0x2FFFF;
	_ =	strace $0x9FFFFFFF  }
0xc3: {  	(tm) =	ssettm $0x7FFFFFFF  }
tec
execute0_lowered:
.L_overlay_start_1:
0x0: {  	(tag) =	ssettag $0x1  }
0x1: {  	s1 =	rddreg [dreg:$0x0]  }
0x2: {  	s7 =	rddreg [dreg:$0x1]  }
0x3: {  	s3 =	rddreg [dreg:$0x2]  }
0x4: {  	s0 =	srdreg.scid;
	s2 =	rddreg [dreg:$0x3]  }
0x5: {  	s4 =	simm.s32 $0x0;
	s14 =	simm.s32 $0x2;
	s15 =	simm.s32 $0x16500  }
0x6: {  	s16 =	simm.s32 $0x13C80;
	s17 =	simm.s32 $0x50;
	s8 =	sand.u32 $0x1, s0  }
0x7: {  	s18 =	simm.s32 $0x13C00;
	s0 =	stileid.u32;
	s5 =	smul.u32 $0x27100, s8  }
0x8: {  	s19 =	simm.s32 $0x13D00;
	s20 =	simm.s32 $0x1;
	s6 =	smul.u32 $0x2710, s0  }
0x9: {  	s21 =	simm.s32 $0x0;
	[smem:$0x7FF] =	sst s4;
	s29 =	smul.u32 $0x13C000, s8  }
0xa: {  	s9 =	smul.u32 $0x13C00, s0;
	_ =	strace $0x80000047;
	s8 =	ssub.s32 $0x2, s8  }
0xb: {  	s10 =	smul.u32 $0x4F000, s0;
	s31 =	sshll.u32 s0, $0x6;
	s30 =	sshrl.u32 s8, $0x1  }
0xc: {  	s5 =	sadd.s32 s6, s5;
	s9 =	sadd.s32 s9, s29;
	s6 =	sadd.s32 $0x19600, s7  }
0xd: {  	s10 =	sshrl.u32 s10, $0x2;
	s11 =	ssub.s32 s8, s30;
	s5 =	sshrl.u32 s5, $0x3  }
0xe: {  	s9 =	sshrl.u32 s9, $0x3;
	s13 =	sadd.s32 s10, s3;
	s10 =	smax.u32 s11, $0x1  }
0xf: {  	s12 =	sadd.s32 s5, s7;
	s5 =	sadd.s32 $0x16E00, s7;
	s9 =	sadd.s32 s9, s7  }
0x10: {  	s7 =	sor.u32 $0x1C02, s31;
	s13 =	sshrl.u32 s13, $0x3;
	s8 =	sadd.s32 $0x68C00, s9  }
0x11: {  	s9 =	sadd.s32 $0x19C00, s9;
	s11 =	sadd.s32 $0x3200, s12;
	s12 =	sadd.s32 $0xD000, s12  }
.LBB2_1:
0x12: {  	[spmem:s13], [sflag:s7] =	dma.local [hbm:s5], $0x2780  }
0x13: {  	_ =	swait.ge [sflag:s14], $0x2780  }
0x14: {  	[sflag:s14] =	ssyncset.done $0x0  }
0x15: {  	[sflag:s14] =	ssyncadd.s32 $0xFFFFD880  }
0x16: {  	[tilespmem:s15], [sflag:$0x2] =	stream.linear.gather [hbm4b:s6+s4], $0x2800, $0x38;
	[tilespmem:$0x18D00] =	vst v63  }
0x17: {  	_ =	swait.ge [sflag:s14], $0x2800  }
0x18: {  	[sflag:s14] =	ssyncset.done $0x0  }
0x19: {  	[sflag:s14] =	ssyncadd.s32 $0xFFFFD800  }
0x1a: {  	s22 =	sadd.s32 $0x0, s11;
	[bflag:$0x0] =	sbarrier.arrive $0xFFFF  }
0x1b: {  	[tilespmem:s16], [sflag:$0x2] =	stream.linear.gather [hbm4b:s22+s4], $0x50, $0x38;
	[tilespmem:$0x18D00] =	vst v63  }
0x1c: {  	_ =	swait.ge [sflag:s14], $0x50  }
0x1d: {  	[sflag:s14] =	ssyncset.done $0x0  }
0x1e: {  	[sflag:s14] =	ssyncadd.s32 $0xFFFFFFB0  }
0x1f: {  	[spmem:s3] =	stream.indirect.scatter.add.f32 [tilespmem:s15], [sflag:$0x2], $0x80, s16, s17, $0xb8;
	[tilespmem:$0x18D00] =	vst v63  }
0x20: {  	_ =	swait.ge [sflag:s14], $0x2800  }
0x21: {  	s23 =	simm.s32 $0x14;
	s22 =	simm.s32 $0xA;
	[sflag:s14] =	ssyncset.done $0x0  }
.LBB2_2:
0x22: {  	s24 =	sadd.s32 s22, s11  }
0x23: {  	[sflag:s14] =	ssyncadd.s32 $0xFFFFD800;
	s22 =	smov.u32 s23;
	s25 =	sadd.s32 $0xA, s23  }
0x24: {  	[tilespmem:s16], [sflag:$0x2] =	stream.linear.gather [hbm4b:s24+s4], $0x50, $0x38;
	[tilespmem:$0x18D00] =	vst v63  }
0x25: {  	p0 =	sne.s32 s23, $0x4D8;
	_ =	swait.ge [sflag:s14], $0x50  }
.Ltmp0:
0x26: {  	[sflag:s14] =	ssyncset.done $0x0;
	(pc) =	sbr.rel @p0 .LBB2_2-.Ltmp0, $4  }
0x27: {  	[sflag:s14] =	ssyncadd.s32 $0xFFFFFFB0  }
0x28: {  	[spmem:s3] =	stream.indirect.scatter.add.f32 [tilespmem:s15], [sflag:$0x2], $0x80, s16, s17, $0xb8;
	[tilespmem:$0x18D00] =	vst v63  }
0x29: {  	_ =	swait.ge [sflag:s14], $0x2800  }
0x2a: {  	s23 =	smov.u32 s25;
	[sflag:s14] =	ssyncset.done $0x0  }
0x2b: {  	s22 =	sadd.s32 s22, s11;
	[sflag:s14] =	ssyncadd.s32 $0xFFFFD800  }
0x2c: {  	[tilespmem:s16], [sflag:$0x2] =	stream.linear.gather [hbm4b:s22+s4], $0x50, $0x38;
	[tilespmem:$0x18D00] =	vst v63  }
0x2d: {  	_ =	swait.ge [sflag:s14], $0x50  }
0x2e: {  	[sflag:s14] =	ssyncset.done $0x0  }
0x2f: {  	[sflag:s14] =	ssyncadd.s32 $0xFFFFFFB0  }
0x30: {  	[spmem:s3] =	stream.indirect.scatter.add.f32 [tilespmem:s15], [sflag:$0x2], $0x80, s16, s17, $0xb8;
	[tilespmem:$0x18D00] =	vst v63  }
0x31: {  	_ =	swait.ge [sflag:s14], $0x2800  }
0x32: {  	[sflag:s14] =	ssyncset.done $0x0  }
0x33: {  	[sflag:s14] =	ssyncadd.s32 $0xFFFFD800  }
0x34: {  	[bflag:$0x0] =	sbarrier.arrive $0xFFFF  }
0x35: {  	[hbm:s8], [sflag:s7] =	dma.local [spmem:s13], $0x2780  }
0x36: {  	_ =	swait.ge [sflag:s14], $0x2780  }
0x37: {  	[sflag:s14] =	ssyncset.done $0x0  }
0x38: {  	[sflag:s14] =	ssyncadd.s32 $0xFFFFD880  }
0x39: {  	[spmem:s13], [sflag:s7] =	dma.local [hbm:s5], $0x2780  }
0x3a: {  	_ =	swait.ge [sflag:s14], $0x2780  }
0x3b: {  	[sflag:s14] =	ssyncset.done $0x0  }
0x3c: {  	[sflag:s14] =	ssyncadd.s32 $0xFFFFD880  }
0x3d: {  	s30 =	sadd.s32 $0x0, s12;
	[bflag:$0x0] =	sbarrier.arrive $0xFFFF  }
0x3e: {  	[tilespmem:s18], [sflag:$0x2] =	stream.linear.gather [hbm4b:s30+s4], $0x50, $0x38;
	[tilespmem:$0x18D00] =	vst v63  }
0x3f: {  	_ =	swait.ge [sflag:s14], $0x50  }
0x40: {  	[sflag:s14] =	ssyncset.done $0x0  }
0x41: {  	s31 =	sadd.s32 $0x0, s11;
	[sflag:s14] =	ssyncadd.s32 $0xFFFFFFB0  }
0x42: {  	[tilespmem:s16], [sflag:$0x2] =	stream.linear.gather [hbm4b:s31+s4], $0x50, $0x38;
	[tilespmem:$0x18D00] =	vst v63  }
0x43: {  	_ =	swait.ge [sflag:s14], $0x50  }
0x44: {  	[sflag:s14] =	ssyncset.done $0x0  }
0x45: {  	[sflag:s14] =	ssyncadd.s32 $0xFFFFFFB0  }
0x46: {  	[tilespmem:s19], [sflag:$0x1] =	stream.indirect.gather [hbm4b:s1+s17], $0x80, s18, s17, $0xb8;
	[tilespmem:$0x18D00] =	vst v63  }
0x47: {  	_ =	swait.ge [sflag:s20], $0x2800  }
0x48: {  	[sflag:s20] =	ssyncset.done $0x0  }
0x49: {  	[sflag:s20] =	ssyncadd.s32 $0xFFFFD800  }
0x4a: {  	[spmem:s3] =	stream.indirect.scatter.add.f32 [tilespmem:s19], [sflag:$0x2], $0x80, s16, s17, $0xb8;
	[tilespmem:$0x18D00] =	vst v63  }
0x4b: {  	_ =	swait.ge [sflag:s14], $0x2800  }
0x4c: {  	s23 =	simm.s32 $0x14;
	s22 =	simm.s32 $0xA;
	[sflag:s14] =	ssyncset.done $0x0  }
.LBB2_4:
0x4d: {  	s24 =	sadd.s32 s22, s12  }
0x4e: {  	[sflag:s14] =	ssyncadd.s32 $0xFFFFD800;
	s25 =	smov.u32 s23;
	s26 =	sadd.s32 $0xA, s23  }
0x4f: {  	[tilespmem:s18], [sflag:$0x2] =	stream.linear.gather [hbm4b:s24+s4], $0x50, $0x38;
	[tilespmem:$0x18D00] =	vst v63  }
0x50: {  	p0 =	sne.s32 s23, $0x4D8;
	_ =	swait.ge [sflag:s14], $0x50  }
0x51: {  	[sflag:s14] =	ssyncset.done $0x0  }
0x52: {  	s23 =	sadd.s32 s22, s11;
	s22 =	smov.u32 s25;
	[sflag:s14] =	ssyncadd.s32 $0xFFFFFFB0  }
0x53: {  	[tilespmem:s16], [sflag:$0x2] =	stream.linear.gather [hbm4b:s23+s4], $0x50, $0x38;
	[tilespmem:$0x18D00] =	vst v63  }
0x54: {  	_ =	swait.ge [sflag:s14], $0x50  }
0x55: {  	[sflag:s14] =	ssyncset.done $0x0  }
0x56: {  	[sflag:s14] =	ssyncadd.s32 $0xFFFFFFB0  }
0x57: {  	[tilespmem:s19], [sflag:$0x1] =	stream.indirect.gather [hbm4b:s1+s17], $0x80, s18, s17, $0xb8;
	[tilespmem:$0x18D00] =	vst v63  }
0x58: {  	_ =	swait.ge [sflag:s20], $0x2800  }
.Ltmp1:
0x59: {  	[sflag:s20] =	ssyncset.done $0x0;
	(pc) =	sbr.rel @p0 .LBB2_4-.Ltmp1, $4  }
0x5a: {  	[sflag:s20] =	ssyncadd.s32 $0xFFFFD800  }
0x5b: {  	[spmem:s3] =	stream.indirect.scatter.add.f32 [tilespmem:s19], [sflag:$0x2], $0x80, s16, s17, $0xb8;
	[tilespmem:$0x18D00] =	vst v63  }
0x5c: {  	_ =	swait.ge [sflag:s14], $0x2800  }
0x5d: {  	s23 =	smov.u32 s26;
	[sflag:s14] =	ssyncset.done $0x0  }
0x5e: {  	s23 =	sadd.s32 s22, s12;
	[sflag:s14] =	ssyncadd.s32 $0xFFFFD800  }
0x5f: {  	[tilespmem:s18], [sflag:$0x2] =	stream.linear.gather [hbm4b:s23+s4], $0x50, $0x38;
	[tilespmem:$0x18D00] =	vst v63  }
0x60: {  	_ =	swait.ge [sflag:s14], $0x50  }
0x61: {  	[sflag:s14] =	ssyncset.done $0x0  }
0x62: {  	s31 =	sadd.s32 s22, s11;
	[sflag:s14] =	ssyncadd.s32 $0xFFFFFFB0  }
0x63: {  	[tilespmem:s16], [sflag:$0x2] =	stream.linear.gather [hbm4b:s31+s4], $0x50, $0x38;
	[tilespmem:$0x18D00] =	vst v63  }
0x64: {  	_ =	swait.ge [sflag:s14], $0x50  }
0x65: {  	[sflag:s14] =	ssyncset.done $0x0  }
0x66: {  	[sflag:s14] =	ssyncadd.s32 $0xFFFFFFB0  }
0x67: {  	[tilespmem:s19], [sflag:$0x1] =	stream.indirect.gather [hbm4b:s1+s17], $0x80, s18, s17, $0xb8;
	[tilespmem:$0x18D00] =	vst v63  }
0x68: {  	_ =	swait.ge [sflag:s20], $0x2800  }
0x69: {  	[sflag:s20] =	ssyncset.done $0x0  }
0x6a: {  	[sflag:s20] =	ssyncadd.s32 $0xFFFFD800  }
0x6b: {  	[spmem:s3] =	stream.indirect.scatter.add.f32 [tilespmem:s19], [sflag:$0x2], $0x80, s16, s17, $0xb8;
	[tilespmem:$0x18D00] =	vst v63  }
0x6c: {  	_ =	swait.ge [sflag:s14], $0x2800  }
0x6d: {  	s21 =	sadd.s32 $0x1, s21;
	[sflag:s14] =	ssyncset.done $0x0  }
0x6e: {  	p0 =	sne.s32 s21, s10;
	[sflag:s14] =	ssyncadd.s32 $0xFFFFD800  }
.Ltmp2:
0x6f: {  	[bflag:$0x0] =	sbarrier.arrive $0xFFFF;
	(pc) =	sbr.rel @p0 .LBB2_1-.Ltmp2, $4  }
0x70: {  	[hbm:s9], [sflag:s7] =	dma.local [spmem:s13], $0x2780  }
0x71: {  	_ =	swait.ge [sflag:s14], $0x2780  }
0x72: {  	[sflag:s14] =	ssyncset.done $0x0  }
0x73: {  	[sflag:s14] =	ssyncadd.s32 $0xFFFFD880  }
0x74: {  	_ =	sfence.sel $0x180000  }
0x75: {  	[bflag:$0x0] =	sbarrier.arrive $0xFFFF  }
0x76: {  	p0 =	sne.s32 s0, $0x0;
	_ =	strace $0x90000047  }
0x77: {  	s0 =	sadd.s32 @!p0 $0x100000, s2;
	[bflag:$0x2] =	sbarrier.arrive $0xFFFF  }
0x78: {  	[sflag:s0] =	ssyncadd.tile.s32 @!p0 $0x1;
	_ =	shalt  }
.Lfunc_end2:
_tile_overlayer_lowered:
.L_overlay_start_2:
0x79: {  	(tag) =	ssettag $0x2  }
0x7a: {  	s0 =	rddreg [dreg:$0x0];
	s2 =	stileid.u32  }
0x7b: {  	s1 =	rddreg [dreg:$0x1];
	p0 =	sne.s32 s2, $0x0  }
0x7c: {  	s3 =	rddreg [dreg:$0x2];
	[bflag:$0x3] =	sbarrier.arrive $0xFFFF;
	s2 =	simm.s32 @!p0 $0x1C02  }
0x7d: {  	[timem:s3], [sflag:s2] =	dma.local @!p0 [hbm:s0], s1  }
0x7e: {  	s0 =	simm.s32 @!p0 $0x2  }
0x7f: {  	_ =	swait.ge @!p0 [sflag:s0], s1  }
0x80: {  	s1 =	ssub.s32 @!p0 $0x0, s1;
	[sflag:s0] =	ssyncset.done @!p0 $0x0  }
0x81: {  	[sflag:s0] =	ssyncadd.s32 @!p0 s1  }
0x82: {  	[bflag:$0x3] =	sbarrier.arrive $0xFFFF  }
0x83: {  	_ =	shalt  }

// kernel: kernel.9.cloned.1.call-start
scs
__scs_entry_jumppad:
0x0: {  	(pc) =	sbr.rel $0x88, $3  }
0x1: {  	(tag) =	ssettag $0x0;
	lr =	simm.s32 $0x1  }
0x2: {  	[smem:$0x3F97] =	sst lr;
	_ =	strace $0xD0000000  }
0x3: {  	_ = 	snop  }
0x4: {  	_ = 	snop  }
0x5: {  	_ = 	snop  }
0x6: {  	_ = 	snop  }
0x7: {  	_ = 	snop  }
__scs_overlays_trampoline_lowered:
0x8: {  	[smem:$0x3FA6] =	sst s0  }
0x9: {  	[smem:$0x3FA7] =	sst s1  }
0xa: {  	[smem:$0x3FA8] =	sst s2  }
0xb: {  	[smem:$0x3FA9] =	sst s3  }
0xc: {  	[smem:$0x3FAA] =	sst s4  }
0xd: {  	[smem:$0x3FAB] =	sst s5  }
0xe: {  	[smem:$0x3FAC] =	sst s6  }
0xf: {  	[smem:$0x3FAD] =	sst s7  }
0x10: {  	[smem:$0x3FAE] =	sst s8  }
0x11: {  	[smem:$0x3FAF] =	sst s9;
	s0 =	simm.s32 @!p0 $0x0  }
0x12: {  	s1 =	sld [smem:$0x3F95];
	s0 =	simm.s32 @p0 $0x1  }
0x13: {  	[smem:$0x3FB0] =	sst s0;
	s0 =	simm.s32 @!p1 $0x0  }
0x14: {  	s2 =	sld [smem:$0x3F94];
	s0 =	simm.s32 @p1 $0x1  }
0x15: {  	[smem:$0x3FB1] =	sst s0;
	s0 =	simm.s32 @!p2 $0x0  }
0x16: {  	s3 =	sld [smem:$0x3FDB];
	s0 =	simm.s32 @p2 $0x1  }
0x17: {  	s4 =	simm.s32 $0x1BF5;
	[smem:$0x3FB3] =	sst s0  }
0x18: {  	s0 =	sld [smem:$0x3F96];
	_ =	swait.ge [sflag:s4], $0x0  }
0x19: {  	s7 =	sld [smem:$0x3F97]  }
0x1a: {  	s8 =	sadd.s32 $0xFFFFE003, lr  }
0x1b: {  	s9 =	sadd.s32 $0xFFFFFEF7, lr;
	s5 =	simm.s32 $0xFFFFFFFF;
	p2 =	slt.u32 s8, $0xFFFFF086  }
0x1c: {  	p1 =	slt.u32 s9, $0xF7A;
	s5 =	simm.s32 @!p2 $0x0  }
0x1d: {  	s5 =	simm.s32 @p1 $0x1;
	p0 =	seq.s32 s7, s2  }
0x1e: {  	s7 =	smul.u32 @!p0 $0xF7A, s2;
	p2 =	seq.s32 @!p0 s5, $0x0  }
0x1f: {  	s9 =	smul.u32 $0xF7A, s1;
	s8 =	simm.s32 @!p0 $0x1BF5;
	p2 =	por !p2, p0  }
0x20: {  	[sflag:s8] =	ssyncset.s32 @!p0 $0xFFFFF086;
	s6 =	sadd.s32 @!p0 s3, s7;
	s7 =	simm.s32 @!p0 $0x108  }
0x21: {  	s3 =	sadd.s32 s3, s9;
	s6 =	sadd.s32 @!p0 $0x88, s6;
	s7 =	simm.s32 @p2 $0x1082  }
0x22: {  	[simem:s7], [sflag:s8] =	dma.local @!p0 [hbm:s6], $0xF7A  }
0x23: {  	s9 =	sor.u32 $0xD0000000, s2;
	s6 =	simm.s32 $0x108;
	_ =	swait.ge @!p0 [sflag:s8], $0x0  }
0x24: {  	s3 =	sadd.s32 $0x88, s3;
	s6 =	simm.s32 @!p1 $0x1082;
	[sflag:s4] =	ssyncset.s32 $0xFFFFF086  }
0x25: {  	[simem:s6], [sflag:s4] =	dma.local [hbm:s3], $0xF7A  }
0x26: {  	[smem:$0x3F97] =	sst s1;
	(tag) =	ssettag s2;
	_ =	strace s9  }
0x27: {  	s1 =	sld [smem:$0x3FA7]  }
0x28: {  	s2 =	sld [smem:$0x3FA8]  }
0x29: {  	s4 =	sld [smem:$0x3FAA]  }
0x2a: {  	p0 =	seq.s32 s5, $0x0;
	s5 =	sld [smem:$0x3FAB]  }
0x2b: {  	s6 =	sld [smem:$0x3FAC]  }
0x2c: {  	s7 =	sld [smem:$0x3FAD]  }
0x2d: {  	s3 =	simm.s32 $0x108;
	s8 =	sld [smem:$0x3FAE]  }
0x2e: {  	s3 =	simm.s32 @!p0 $0x1082;
	s9 =	sld [smem:$0x3FAF]  }
0x2f: {  	lr =	sadd.s32 s0, s3;
	s0 =	sld [smem:$0x3FA6]  }
0x30: {  	s3 =	sld [smem:$0x3FA9]  }
0x31: {  	[smem:$0x3FB2] =	sst s10  }
0x32: {  	s10 =	sld [smem:$0x3FB0];
	_ =	sdelay $0x3  }
0x33: {  	p0 =	seq.s32 s10, $0x1;
	s10 =	sld [smem:$0x3FB2];
	_ =	sdelay $0x3  }
0x34: {  	[smem:$0x3FB2] =	sst s10  }
0x35: {  	s10 =	sld [smem:$0x3FB1];
	_ =	sdelay $0x3  }
0x36: {  	p1 =	seq.s32 s10, $0x1;
	s10 =	sld [smem:$0x3FB2];
	_ =	sdelay $0x3  }
0x37: {  	[smem:$0x3FB2] =	sst s10  }
0x38: {  	s10 =	sld [smem:$0x3FB3]  }
0x39: {  	_ = 	snop;
	(pc) =	sbr.ind lr, $3  }
0x3a: {  	_ = 	snop  }
0x3b: {  	_ = 	snop  }
0x3c: {  	p2 =	seq.s32 s10, $0x1;
	s10 =	sld [smem:$0x3FB2]  }
0x3d: {  	_ =	shalt  }
0x3e: {  	_ =	shalt  }
0x3f: {  	_ =	shalt  }
0x40: {  	_ =	shalt  }
0x41: {  	_ =	shalt  }
0x42: {  	_ =	shalt  }
0x43: {  	_ =	shalt  }
0x44: {  	_ =	shalt  }
0x45: {  	_ =	shalt  }
0x46: {  	_ =	shalt  }
0x47: {  	_ =	shalt  }
0x48: {  	_ =	shalt  }
0x49: {  	_ =	shalt  }
0x4a: {  	_ =	shalt  }
0x4b: {  	_ =	shalt  }
0x4c: {  	_ =	shalt  }
0x4d: {  	_ =	shalt  }
0x4e: {  	_ =	shalt  }
0x4f: {  	_ =	shalt  }
0x50: {  	_ =	shalt  }
0x51: {  	_ =	shalt  }
0x52: {  	_ =	shalt  }
0x53: {  	_ =	shalt  }
0x54: {  	_ =	shalt  }
0x55: {  	_ =	shalt  }
0x56: {  	_ =	shalt  }
0x57: {  	_ =	shalt  }
0x58: {  	_ =	shalt  }
0x59: {  	_ =	shalt  }
0x5a: {  	_ =	shalt  }
0x5b: {  	_ =	shalt  }
0x5c: {  	_ =	shalt  }
0x5d: {  	_ =	shalt  }
0x5e: {  	_ =	shalt  }
0x5f: {  	_ =	shalt  }
0x60: {  	_ =	shalt  }
0x61: {  	_ =	shalt  }
0x62: {  	_ =	shalt  }
0x63: {  	_ =	shalt  }
0x64: {  	_ =	shalt  }
0x65: {  	_ =	shalt  }
0x66: {  	_ =	shalt  }
0x67: {  	_ =	shalt  }
0x68: {  	_ =	shalt  }
0x69: {  	_ =	shalt  }
0x6a: {  	_ =	shalt  }
0x6b: {  	_ =	shalt  }
0x6c: {  	_ =	shalt  }
0x6d: {  	_ =	shalt  }
0x6e: {  	_ =	shalt  }
0x6f: {  	_ =	shalt  }
0x70: {  	_ =	shalt  }
0x71: {  	_ =	shalt  }
0x72: {  	_ =	shalt  }
0x73: {  	_ =	shalt  }
0x74: {  	_ =	shalt  }
0x75: {  	_ =	shalt  }
0x76: {  	_ =	shalt  }
0x77: {  	_ =	shalt  }
0x78: {  	_ =	shalt  }
0x79: {  	_ =	shalt  }
0x7a: {  	_ =	shalt  }
0x7b: {  	_ =	shalt  }
0x7c: {  	_ =	shalt  }
0x7d: {  	_ =	shalt  }
0x7e: {  	_ =	shalt  }
0x7f: {  	_ =	shalt  }
0x80: {  	_ =	shalt  }
0x81: {  	_ =	shalt  }
0x82: {  	_ =	shalt  }
0x83: {  	_ =	shalt  }
0x84: {  	_ =	shalt  }
0x85: {  	_ =	shalt  }
0x86: {  	_ =	shalt  }
0x87: {  	_ =	shalt  }
.Lfunc_end0:
.L_simem_size_0:
called_computation.1_lowered:
.L_overlay_start_0:
0x88: {  	s2 =	sld [smem:$0x3FD9]  }
0x89: {  	s3 =	sld [smem:$0x3FFE];
	_ =	sdelay $0x1  }
0x8a: {  	s1 =	srdreg.scid  }
0x8b: {  	s0 =	sand.u32 $0x1, s1  }
0x8c: {  	s16 =	sshll.u32 s0, $0xA;
	s2 =	sadd.s32 s3, s2  }
0x8d: {  	s2 =	sadd.s32 s2, s16  }
0x8e: {  	[smem:$0x3FBE] =	sst s2  }
0x8f: {  	_ = 	snop  }
0x90: {  	(tm) =	ssettm $0x1  }
0x91: {  	s17 =	sld [smem:$0x3FFB];
	_ =	sdelay $0x3  }
0x92: {  	_ =	strace s17  }
0x93: {  	s2 =	sld [smem:$0x3FFC];
	_ =	sdelay $0x3  }
0x94: {  	_ =	strace s2  }
0x95: {  	s2 =	sld [smem:$0x3FFD];
	_ =	sdelay $0x3  }
0x96: {  	_ =	strace s2  }
0x97: {  	_ =	strace $0x8FFFFFFF  }
0x98: {  	s18 =	sld [smem:$0x3FDB];
	_ =	sdelay $0x1  }
0x99: {  	s19 =	simm.s32 $_scs_section_size  }
0x9a: {  	s4 =	simm.s32 $_size__tile_overlayer_lowered;
	s5 =	simm.s32 $_tile_overlayer_lowered  }
0x9b: {  	s22 =	simm.s32 $0x1BFF;
	s21 =	sshll.u32 s5, $0x1;
	s2 =	sadd.s32 s19, s18  }
0x9c: {  	s6 =	simm.s32 $0x0;
	s20 =	sshll.u32 s4, $0x1;
	s4 =	sadd.s32 s21, s2  }
0x9d: {  	[timem:s6], [sflag:s22] =	dma.local [hbm:s4], s20  }
0x9e: {  	_ =	swait.ge [sflag:s22], s20  }
0x9f: {  	s3 =	ssub.s32 $0x0, s20;
	[sflag:s22] =	ssyncset.done $0x0  }
0xa0: {  	[sflag:s22] =	ssyncadd.s32 s3;
	_ =	sdelay $0x1  }
0xa1: {  	s23 =	simm.s32 $0x1B8B  }
0xa2: {  	_ =	swait.ge [sflag:s23], $0x1  }
0xa3: {  	[sflag:s23] =	ssyncset.done $0x0  }
0xa4: {  	s25 =	simm.s32 $0x1B8E;
	s24 =	sld [smem:$0x3FFE];
	[sflag:s23] =	ssyncadd.s32 $0xFFFFFFFF  }
0xa5: {  	s26 =	simm.s32 $execute0_lowered;
	[smem:$0x3FD2] =	sst s25  }
0xa6: {  	s4 =	sshll.u32 s26, $0x1;
	_ =	strace $0x80000049;
	[dreg:$0x1] =	wrdreg $0xFFFFFFFF  }
0xa7: {  	s28 =	simm.s32 $_size_execute0_lowered;
	s2 =	sadd.s32 s2, s4;
	[dreg:$0x0] =	wrdreg $0x0  }
0xa8: {  	s4 =	sshll.u32 s28, $0x1;
	[dreg:$0x2] =	wrdreg s2  }
0xa9: {  	[dreg:$0x3] =	wrdreg s4  }
0xaa: {  	[dreg:$0x4] =	wrdreg $0xC0  }
0xab: {  	_ =	task [dreg:s6], $0x5FFFF  }
0xac: {  	[dreg:$0x1] =	wrdreg $0xFFFFFFFF  }
0xad: {  	[dreg:$0x0] =	wrdreg $0x60  }
0xae: {  	[dreg:$0x2] =	wrdreg s24  }
0xaf: {  	[dreg:$0x3] =	wrdreg $0x0  }
0xb0: {  	[dreg:$0x4] =	wrdreg $0x9  }
0xb1: {  	_ =	task.clear_ibuf [dreg:s6], $0x5FFFF;
	_ =	strace $0x90000049  }
0xb2: {  	s29 =	simm.s32 $0x9;
	_ =	strace $0x8000004B  }
0xb3: {  	_ =	swait.ge [sflag:s29], $0x1  }
0xb4: {  	[sflag:s29] =	ssyncadd.s32 $0xFFFFFFFF  }
0xb5: {  	_ =	strace $0x9000004B  }
0xb6: {  	_ =	sfence  }
0xb7: {  	s30 =	sld [smem:$0x0];
	_ =	sdelay $0x2  }
0xb8: {  	s31 =	sshll.u32 s1, $0xD;
	s1 =	sshrl.u32 s1, $0x2  }
0xb9: {  	s3 =	sand.u32 $0x4000, s31;
	s1 =	sadd.s32 s1, s30  }
0xba: {  	s0 =	sor.u32 s3, s0;
	s1 =	sshll.u32 s1, $0x11  }
0xbb: {  	s0 =	sor.u32 s1, s0  }
0xbc: {  	s0 =	sadd.s32 $0x8F2B, s0  }
0xbd: {  	[sflag:s0] =	ssyncadd.remote.s32 $0x1  }
0xbe: {  	_ =	sfence.sel $0xFFFF  }
0xbf: {  	[dreg:$0x0] =	wrdreg $0xFFFFFFFF;
	(pc) =	sbr.abs _section_cstart, $3  }
0xc0: {  	[dreg:$0x1] =	wrdreg $0xFFFFFFFF  }
0xc1: {  	_ =	task.clear_ibuf [dreg:s6], $0x2FFFF;
	_ =	strace $0x9FFFFFFF  }
0xc2: {  	(tm) =	ssettm $0x7FFFFFFF  }
0xc3: {  	_ =	shalt  }
tec
execute0_lowered:
.L_overlay_start_1:
0x0: {  	(tag) =	ssettag $0x1  }
0x1: {  	s6 =	rddreg [dreg:$0x0]  }
0x2: {  	s0 =	srdreg.scid;
	s2 =	rddreg [dreg:$0x1]  }
0x3: {  	s1 =	rddreg [dreg:$0x2];
	s7 =	sand.u32 $0x1, s0  }
0x4: {  	s3 =	simm.s32 $0x0;
	s0 =	stileid.u32;
	s4 =	smul.u32 $0x27100, s7  }
0x5: {  	s14 =	simm.s32 $0x13C80;
	s15 =	simm.s32 $0x50;
	s5 =	smul.u32 $0x2710, s0  }
0x6: {  	s16 =	simm.s32 $0x13D00;
	s17 =	simm.s32 $0x1;
	s8 =	smul.u32 $0x13C000, s7  }
0x7: {  	s18 =	simm.s32 $0x0;
	[smem:$0x7FF] =	sst s3;
	s9 =	smul.u32 $0x13C00, s0  }
0x8: {  	_ =	strace $0x8000004A;
	s30 =	smul.u32 $0x4F000, s0;
	s31 =	ssub.s32 $0x2, s7  }
0x9: {  	s11 =	sshll.u32 s0, $0x6;
	s7 =	sshrl.u32 s31, $0x1;
	s5 =	sadd.s32 s5, s4  }
0xa: {  	s4 =	sadd.s32 $0x19600, s6;
	s8 =	sadd.s32 s9, s8;
	s9 =	sshrl.u32 s30, $0x2  }
0xb: {  	s12 =	ssub.s32 s31, s7;
	s5 =	sshrl.u32 s5, $0x3;
	s8 =	sshrl.u32 s8, $0x3  }
0xc: {  	s13 =	sadd.s32 s9, s2;
	s10 =	sadd.s32 s5, s6;
	s5 =	sadd.s32 $0x16E00, s6  }
0xd: {  	s8 =	sadd.s32 s8, s6;
	s6 =	sor.u32 $0x1C02, s11;
	s11 =	sshrl.u32 s13, $0x3  }
0xe: {  	s13 =	simm.s32 $0x13C00;
	s7 =	sadd.s32 $0x40800, s8;
	s8 =	smax.u32 s12, $0x1  }
0xf: {  	s9 =	sadd.s32 $0x3200, s10;
	s10 =	sadd.s32 $0xD000, s10;
	s12 =	simm.s32 $0x2  }
.LBB2_1:
0x10: {  	[spmem:s11], [sflag:s6] =	dma.local [hbm:s5], $0x2780  }
0x11: {  	_ =	swait.ge [sflag:s12], $0x2780  }
0x12: {  	[sflag:s12] =	ssyncset.done $0x0  }
0x13: {  	[sflag:s12] =	ssyncadd.s32 $0xFFFFD880  }
0x14: {  	s19 =	sadd.s32 $0x0, s10;
	[bflag:$0x0] =	sbarrier.arrive $0xFFFF  }
0x15: {  	[tilespmem:s13], [sflag:$0x2] =	stream.linear.gather [hbm4b:s19+s3], $0x50, $0x38;
	[tilespmem:$0x16500] =	vst v63  }
0x16: {  	_ =	swait.ge [sflag:s12], $0x50  }
0x17: {  	[sflag:s12] =	ssyncset.done $0x0  }
0x18: {  	s31 =	sadd.s32 $0x0, s9;
	[sflag:s12] =	ssyncadd.s32 $0xFFFFFFB0  }
0x19: {  	[tilespmem:s14], [sflag:$0x2] =	stream.linear.gather [hbm4b:s31+s3], $0x50, $0x38;
	[tilespmem:$0x16500] =	vst v63  }
0x1a: {  	_ =	swait.ge [sflag:s12], $0x50  }
0x1b: {  	[sflag:s12] =	ssyncset.done $0x0  }
0x1c: {  	[sflag:s12] =	ssyncadd.s32 $0xFFFFFFB0  }
0x1d: {  	[tilespmem:s16], [sflag:$0x1] =	stream.indirect.gather [hbm4b:s4+s15], $0x80, s13, s15, $0xb8;
	[tilespmem:$0x16500] =	vst v63  }
0x1e: {  	_ =	swait.ge [sflag:s17], $0x2800  }
0x1f: {  	[sflag:s17] =	ssyncset.done $0x0  }
0x20: {  	[sflag:s17] =	ssyncadd.s32 $0xFFFFD800  }
0x21: {  	[spmem:s2] =	stream.indirect.scatter.add.f32 [tilespmem:s16], [sflag:$0x2], $0x80, s14, s15, $0xb8;
	[tilespmem:$0x16500] =	vst v63  }
0x22: {  	_ =	swait.ge [sflag:s12], $0x2800  }
0x23: {  	s20 =	simm.s32 $0x14;
	s19 =	simm.s32 $0xA;
	[sflag:s12] =	ssyncset.done $0x0  }
.LBB2_2:
0x24: {  	s21 =	sadd.s32 s19, s10  }
0x25: {  	[sflag:s12] =	ssyncadd.s32 $0xFFFFD800;
	s22 =	smov.u32 s20;
	s23 =	sadd.s32 $0xA, s20  }
0x26: {  	[tilespmem:s13], [sflag:$0x2] =	stream.linear.gather [hbm4b:s21+s3], $0x50, $0x38;
	[tilespmem:$0x16500] =	vst v63  }
0x27: {  	p0 =	sne.s32 s20, $0x4D8;
	_ =	swait.ge [sflag:s12], $0x50  }
0x28: {  	[sflag:s12] =	ssyncset.done $0x0  }
0x29: {  	s20 =	sadd.s32 s19, s9;
	s19 =	smov.u32 s22;
	[sflag:s12] =	ssyncadd.s32 $0xFFFFFFB0  }
0x2a: {  	[tilespmem:s14], [sflag:$0x2] =	stream.linear.gather [hbm4b:s20+s3], $0x50, $0x38;
	[tilespmem:$0x16500] =	vst v63  }
0x2b: {  	_ =	swait.ge [sflag:s12], $0x50  }
0x2c: {  	[sflag:s12] =	ssyncset.done $0x0  }
0x2d: {  	[sflag:s12] =	ssyncadd.s32 $0xFFFFFFB0  }
0x2e: {  	[tilespmem:s16], [sflag:$0x1] =	stream.indirect.gather [hbm4b:s4+s15], $0x80, s13, s15, $0xb8;
	[tilespmem:$0x16500] =	vst v63  }
0x2f: {  	_ =	swait.ge [sflag:s17], $0x2800  }
.Ltmp0:
0x30: {  	[sflag:s17] =	ssyncset.done $0x0;
	(pc) =	sbr.rel @p0 .LBB2_2-.Ltmp0, $4  }
0x31: {  	[sflag:s17] =	ssyncadd.s32 $0xFFFFD800  }
0x32: {  	[spmem:s2] =	stream.indirect.scatter.add.f32 [tilespmem:s16], [sflag:$0x2], $0x80, s14, s15, $0xb8;
	[tilespmem:$0x16500] =	vst v63  }
0x33: {  	_ =	swait.ge [sflag:s12], $0x2800  }
0x34: {  	s20 =	smov.u32 s23;
	[sflag:s12] =	ssyncset.done $0x0  }
0x35: {  	s20 =	sadd.s32 s19, s10;
	[sflag:s12] =	ssyncadd.s32 $0xFFFFD800  }
0x36: {  	[tilespmem:s13], [sflag:$0x2] =	stream.linear.gather [hbm4b:s20+s3], $0x50, $0x38;
	[tilespmem:$0x16500] =	vst v63  }
0x37: {  	_ =	swait.ge [sflag:s12], $0x50  }
0x38: {  	[sflag:s12] =	ssyncset.done $0x0  }
0x39: {  	s31 =	sadd.s32 s19, s9;
	[sflag:s12] =	ssyncadd.s32 $0xFFFFFFB0  }
0x3a: {  	[tilespmem:s14], [sflag:$0x2] =	stream.linear.gather [hbm4b:s31+s3], $0x50, $0x38;
	[tilespmem:$0x16500] =	vst v63  }
0x3b: {  	_ =	swait.ge [sflag:s12], $0x50  }
0x3c: {  	[sflag:s12] =	ssyncset.done $0x0  }
0x3d: {  	[sflag:s12] =	ssyncadd.s32 $0xFFFFFFB0  }
0x3e: {  	[tilespmem:s16], [sflag:$0x1] =	stream.indirect.gather [hbm4b:s4+s15], $0x80, s13, s15, $0xb8;
	[tilespmem:$0x16500] =	vst v63  }
0x3f: {  	_ =	swait.ge [sflag:s17], $0x2800  }
0x40: {  	[sflag:s17] =	ssyncset.done $0x0  }
0x41: {  	[sflag:s17] =	ssyncadd.s32 $0xFFFFD800  }
0x42: {  	[spmem:s2] =	stream.indirect.scatter.add.f32 [tilespmem:s16], [sflag:$0x2], $0x80, s14, s15, $0xb8;
	[tilespmem:$0x16500] =	vst v63  }
0x43: {  	_ =	swait.ge [sflag:s12], $0x2800  }
0x44: {  	s18 =	sadd.s32 $0x1, s18;
	[sflag:s12] =	ssyncset.done $0x0  }
0x45: {  	p0 =	sne.s32 s18, s8;
	[sflag:s12] =	ssyncadd.s32 $0xFFFFD800  }
.Ltmp1:
0x46: {  	[bflag:$0x0] =	sbarrier.arrive $0xFFFF;
	(pc) =	sbr.rel @p0 .LBB2_1-.Ltmp1, $4  }
0x47: {  	[hbm:s7], [sflag:s6] =	dma.local [spmem:s11], $0x2780  }
0x48: {  	_ =	swait.ge [sflag:s12], $0x2780  }
0x49: {  	[sflag:s12] =	ssyncset.done $0x0  }
0x4a: {  	[sflag:s12] =	ssyncadd.s32 $0xFFFFD880  }
0x4b: {  	_ =	sfence.sel $0x180000  }
0x4c: {  	[bflag:$0x0] =	sbarrier.arrive $0xFFFF  }
0x4d: {  	p0 =	sne.s32 s0, $0x0;
	_ =	strace $0x9000004A  }
0x4e: {  	s0 =	sadd.s32 @!p0 $0x100000, s1;
	[bflag:$0x2] =	sbarrier.arrive $0xFFFF  }
0x4f: {  	[sflag:s0] =	ssyncadd.tile.s32 @!p0 $0x1;
	_ =	shalt  }
.Lfunc_end2:
_tile_overlayer_lowered:
.L_overlay_start_2:
0x50: {  	(tag) =	ssettag $0x2  }
0x51: {  	s0 =	rddreg [dreg:$0x0];
	s2 =	stileid.u32  }
0x52: {  	s1 =	rddreg [dreg:$0x1];
	p0 =	sne.s32 s2, $0x0  }
0x53: {  	s3 =	rddreg [dreg:$0x2];
	[bflag:$0x3] =	sbarrier.arrive $0xFFFF;
	s2 =	simm.s32 @!p0 $0x1C02  }
0x54: {  	[timem:s3], [sflag:s2] =	dma.local @!p0 [hbm:s0], s1  }
0x55: {  	s0 =	simm.s32 @!p0 $0x2  }
0x56: {  	_ =	swait.ge @!p0 [sflag:s0], s1  }
0x57: {  	s1 =	ssub.s32 @!p0 $0x0, s1;
	[sflag:s0] =	ssyncset.done @!p0 $0x0  }
0x58: {  	[sflag:s0] =	ssyncadd.s32 @!p0 s1  }
0x59: {  	[bflag:$0x3] =	sbarrier.arrive $0xFFFF  }
0x5a: {  	_ =	shalt  }

</sc_bundles>
